<compile_context>
chip_gen: v7x
topology: tpu7x:2x2x1
jax: 0.10.2.dev20260603
libtpu: 0.0.44.dev20260713+nightly
codegen_flags: <defaults>
</compile_context>

<pallas_src>
import functools

import jax
import jax.numpy as jnp
from jax import lax
from jax.experimental import pallas as pl
from jax.experimental.pallas import tpu as pltpu
from jax.experimental.pallas import tpu_sc as plsc

B = 16384
EMB = 32
NC = 2
NS = 16
NW = NC * NS
BPW = B // NW
CH = 128
NCH = BPW // CH
RPB = 256
NR = BPW // RPB

_sc_mesh = plsc.VectorSubcoreMesh(core_axis_name="c", subcore_axis_name="s")


@functools.partial(
    pl.kernel,
    mesh=_sc_mesh,
    compiler_params=pltpu.CompilerParams(needs_layout_passes=False),
    out_type=[
        jax.ShapeDtypeStruct((B, EMB), jnp.float32),
        jax.ShapeDtypeStruct((B, EMB), jnp.float32),
    ],
    scratch_types=[
        pltpu.SMEM((NCH, CH), jnp.int32),
        pltpu.SMEM((NCH, CH), jnp.int32),
        pltpu.VMEM_SHARED((NS, 2, NCH, CH), jnp.int32),
        pltpu.VMEM((RPB, EMB), jnp.float32),
        pltpu.VMEM((RPB, EMB), jnp.float32),
        pltpu.SemaphoreType.DMA,
    ],
)
def _sc_gather(uid_hbm, iid_hbm, uemb_hbm, iemb_hbm,
               u_out, i_out,
               uidx_s, iidx_s, idx_sh, urows_v, irows_v, sem):
    sid = lax.axis_index("s")
    wid = sid * NC + lax.axis_index("c")
    base = wid * BPW
    pltpu.sync_copy(uid_hbm.at[wid], idx_sh.at[sid, 0])
    pltpu.sync_copy(iid_hbm.at[wid], idx_sh.at[sid, 1])
    pltpu.sync_copy(idx_sh.at[sid, 0], uidx_s)
    pltpu.sync_copy(idx_sh.at[sid, 1], iidx_s)

    for r in range(NR):
        for cc in range(RPB // CH):
            c = r * (RPB // CH) + cc

            def fire(l, c=c, cc=cc):
                k = cc * CH + l
                pltpu.make_async_copy(uemb_hbm.at[pl.ds(uidx_s[c, l], 1)],
                                      urows_v.at[pl.ds(k, 1)], sem).start()
                pltpu.make_async_copy(iemb_hbm.at[pl.ds(iidx_s[c, l], 1)],
                                      irows_v.at[pl.ds(k, 1)], sem).start()

            pl.loop(0, CH)(fire)

        out_sl = pl.ds(base + r * RPB, RPB)
        pltpu.make_async_copy(uemb_hbm.at[pl.ds(0, RPB)], urows_v, sem).wait()
        pltpu.make_async_copy(iemb_hbm.at[pl.ds(0, RPB)], irows_v, sem).wait()
        pltpu.sync_copy(urows_v, u_out.at[out_sl])
        pltpu.sync_copy(irows_v, i_out.at[out_sl])


def _mlp_body(u_ref, i_ref,
              w1a_ref, w1b_ref, b1_ref, w2_ref, b2_ref, w3_ref, b3_ref,
              o_ref):
    f32 = jnp.float32
    h = (jnp.dot(u_ref[...], w1a_ref[...], preferred_element_type=f32)
         + jnp.dot(i_ref[...], w1b_ref[...], preferred_element_type=f32)
         + b1_ref[...])
    h = jnp.maximum(h, 0.0)
    h = jnp.dot(h, w2_ref[...], preferred_element_type=f32) + b2_ref[...]
    h = jnp.maximum(h, 0.0)
    o = jnp.dot(h, w3_ref[...], preferred_element_type=f32) + b3_ref[...]
    o_ref[...] = jnp.clip(o, 1.0, 5.0)


def kernel(user_ids, item_ids, user_emb, item_emb, user_bias, item_bias,
           W1, b1, W2, b2, W3, b3):
    del user_bias, item_bias
    uid3 = jnp.reshape(user_ids.astype(jnp.int32), (NW, NCH, CH))
    iid3 = jnp.reshape(item_ids.astype(jnp.int32), (NW, NCH, CH))
    u, i = _sc_gather(uid3, iid3, user_emb, item_emb)

    w1a = W1[:, :EMB].T
    w1b = W1[:, EMB:].T
    w2t = W2.T
    w3t = W3.T
    b1r = jnp.reshape(b1, (1, 64))
    b2r = jnp.reshape(b2, (1, 32))
    b3r = jnp.reshape(b3, (1, 1))

    BS = 2048
    out = pl.pallas_call(
        _mlp_body,
        grid=(B // BS,),
        in_specs=[
            pl.BlockSpec((BS, EMB), lambda g: (g, 0)),
            pl.BlockSpec((BS, EMB), lambda g: (g, 0)),
            pl.BlockSpec((EMB, 64), lambda g: (0, 0)),
            pl.BlockSpec((EMB, 64), lambda g: (0, 0)),
            pl.BlockSpec((1, 64), lambda g: (0, 0)),
            pl.BlockSpec((64, 32), lambda g: (0, 0)),
            pl.BlockSpec((1, 32), lambda g: (0, 0)),
            pl.BlockSpec((32, 1), lambda g: (0, 0)),
            pl.BlockSpec((1, 1), lambda g: (0, 0)),
        ],
        out_specs=pl.BlockSpec((BS, 1), lambda g: (g, 0)),
        out_shape=jax.ShapeDtypeStruct((B, 1), jnp.float32),
    )(u, i, w1a, w1b, b1r, w2t, b2r, w3t, b3r)
    return jnp.reshape(out, (B,))

# --- scband reference (transcript-rebuilt; emitter-appended) ---
"""Pipeline reference for scband-matrix-factorisation-84980222919139 (READ-ONLY COPY).

The authoritative reference and input builder live on the scoring server;
editing this copy changes nothing except your own understanding.
"""

import jax, jax.numpy as jnp
import numpy as np

B = 16384
N_USERS = 1000000
N_ITEMS = 1000000
EMB_DIM = 32


def setup_inputs(seed: int = 0) -> dict:
    key = jax.random.key(seed)
    ks = jax.random.split(key, 10)
    user_ids = jax.random.randint(ks[0], (B,), 0, N_USERS, dtype=jnp.int64 if jax.config.jax_enable_x64 else jnp.int32)
    item_ids = jax.random.randint(ks[1], (B,), 0, N_ITEMS, dtype=jnp.int64 if jax.config.jax_enable_x64 else jnp.int32)
    user_emb = jax.random.normal(ks[2], (N_USERS, EMB_DIM), dtype=jnp.float32) * 0.01
    item_emb = jax.random.normal(ks[3], (N_ITEMS, EMB_DIM), dtype=jnp.float32) * 0.01
    user_bias = jnp.zeros((N_USERS, 1), dtype=jnp.float32)
    item_bias = jnp.zeros((N_ITEMS, 1), dtype=jnp.float32)
    d_in = 2 * EMB_DIM
    W1 = jax.random.normal(ks[4], (64, d_in), dtype=jnp.float32) * (1.0 / np.sqrt(d_in))
    b1 = jnp.zeros((64,), dtype=jnp.float32)
    W2 = jax.random.normal(ks[5], (32, 64), dtype=jnp.float32) * (1.0 / np.sqrt(64))
    b2 = jnp.zeros((32,), dtype=jnp.float32)
    W3 = jax.random.normal(ks[6], (1, 32), dtype=jnp.float32) * (1.0 / np.sqrt(32))
    b3 = jnp.zeros((1,), dtype=jnp.float32)
    return {"user_ids": user_ids, "item_ids": item_ids, "user_emb": user_emb, "item_emb": item_emb,
            "user_bias": user_bias, "item_bias": item_bias,
            "W1": W1, "b1": b1, "W2": W2, "b2": b2, "W3": W3, "b3": b3}


def reference(user_ids, item_ids, user_emb, item_emb, user_bias, item_bias, W1, b1, W2, b2, W3, b3):
    u = jnp.take(user_emb, user_ids, axis=0)
    i = jnp.take(item_emb, item_ids, axis=0)
    combined = jnp.concatenate([u, i], axis=1)
    h = jax.nn.relu(combined @ W1.T + b1)
    # Dropout(0.2) is identity in eval mode
    h = jax.nn.relu(h @ W2.T + b2)
    out = h @ W3.T + b3
    out = out + jnp.take(user_bias, user_ids, axis=0) + jnp.take(item_bias, item_ids, axis=0)
    return jnp.clip(jnp.squeeze(out, axis=-1), 1.0, 5.0)

if __name__ == "__main__":
    import jax
    _d = setup_inputs()
    print(jax.jit(kernel)(*tuple(_d.values())))

</pallas_src>

<mosaic_0001>
#map = affine_map<(d0, d1) -> (0, 0, 0)>
#map1 = affine_map<(d0, d1) -> (0, 0)>
module attributes {stable_mosaic.version = 14 : i64} {
  func.func @_sc_gather(%arg0: i32, %arg1: i32, %arg2: memref<32x4x128xi32, #tpu.memory_space<hbm>>, %arg3: memref<32x4x128xi32, #tpu.memory_space<hbm>>, %arg4: memref<1000000x32xf32, #tpu.memory_space<hbm>>, %arg5: memref<1000000x32xf32, #tpu.memory_space<hbm>>, %arg6: memref<16384x32xf32, #tpu.memory_space<hbm>>, %arg7: memref<16384x32xf32, #tpu.memory_space<hbm>>, %arg8: memref<4x128xi32, #tpu.memory_space<smem>>, %arg9: memref<4x128xi32, #tpu.memory_space<smem>>, %arg10: memref<16x2x4x128xi32, #tpu.memory_space<vmem_shared>>, %arg11: memref<256x32xf32, #tpu.memory_space<vmem>>, %arg12: memref<256x32xf32, #tpu.memory_space<vmem>>, %arg13: memref<!tpu.dma_semaphore, #tpu.memory_space<semaphore_mem>>) attributes {dimension_semantics = [#tpu.dimension_semantics<core_parallel>, #tpu.dimension_semantics<subcore_parallel>], iteration_bounds = array<i64: 2, 16>, scalar_prefetch = 0 : i64, scratch_operands = 6 : i64, tpu.core_type = #tpu.core_type<sc_vector_subcore>, window_params = [{transform_indices = #map}, {transform_indices = #map}, {transform_indices = #map1}, {transform_indices = #map1}, {transform_indices = #map1}, {transform_indices = #map1}]} {
    %mul3A = arith.constant 2 : i32
    %mul3A_0 = arith.muli %arg1, %mul3A : i32
    %add3A = arith.addi %mul3A_0, %arg0 : i32
    %mul3A_1 = arith.constant 512 : i32
    %mul3A_2 = arith.muli %add3A, %mul3A_1 : i32
    %run_scoped3A = arith.constant 0 : i32
    "tpu.region"() ({
      %run_scoped3A_52 = tpu.sem_alloc : memref<!tpu.dma_semaphore, #tpu.memory_space<semaphore_mem>>
      %dma_start3A = arith.constant 0 : i32
      %dma_start3A_53 = arith.constant 0 : i32
      %dma_start3A_54 = tpu.memref_slice %arg10[%arg1, %run_scoped3A, %dma_start3A, %dma_start3A_53] : memref<16x2x4x128xi32, #tpu.memory_space<vmem_shared>> -> memref<1x1x4x128xi32, #tpu.memory_space<vmem_shared>>
      %dma_start3A_55 = tpu.memref_squeeze %dma_start3A_54 : memref<1x1x4x128xi32, #tpu.memory_space<vmem_shared>> -> memref<4x128xi32, #tpu.memory_space<vmem_shared>>
      %dma_start3A_56 = arith.constant 0 : i32
      %dma_start3A_57 = arith.constant 0 : i32
      %dma_start3A_58 = tpu.memref_slice %arg2[%add3A, %dma_start3A_56, %dma_start3A_57] : memref<32x4x128xi32, #tpu.memory_space<hbm>> -> memref<1x4x128xi32, #tpu.memory_space<hbm>>
      %dma_start3A_59 = tpu.memref_squeeze %dma_start3A_58 : memref<1x4x128xi32, #tpu.memory_space<hbm>> -> memref<4x128xi32, #tpu.memory_space<hbm>>
      tpu.enqueue_dma source(%dma_start3A_59 : memref<4x128xi32, #tpu.memory_space<hbm>>) target(%dma_start3A_55 : memref<4x128xi32, #tpu.memory_space<vmem_shared>>) target_semaphore(%run_scoped3A_52 : memref<!tpu.dma_semaphore, #tpu.memory_space<semaphore_mem>>)
      %dma_wait3A_60 = arith.constant 0 : i32
      %dma_wait3A_61 = arith.constant 0 : i32
      %dma_wait3A_62 = tpu.memref_slice %arg10[%arg1, %run_scoped3A, %dma_wait3A_60, %dma_wait3A_61] : memref<16x2x4x128xi32, #tpu.memory_space<vmem_shared>> -> memref<1x1x4x128xi32, #tpu.memory_space<vmem_shared>>
      %dma_wait3A_63 = tpu.memref_squeeze %dma_wait3A_62 : memref<1x1x4x128xi32, #tpu.memory_space<vmem_shared>> -> memref<4x128xi32, #tpu.memory_space<vmem_shared>>
      %dma_wait3A_64 = arith.constant 0 : i32
      %dma_wait3A_65 = arith.constant 0 : i32
      %dma_wait3A_66 = tpu.memref_slice %arg2[%add3A, %dma_wait3A_64, %dma_wait3A_65] : memref<32x4x128xi32, #tpu.memory_space<hbm>> -> memref<1x4x128xi32, #tpu.memory_space<hbm>>
      %dma_wait3A_67 = tpu.memref_squeeze %dma_wait3A_66 : memref<1x4x128xi32, #tpu.memory_space<hbm>> -> memref<4x128xi32, #tpu.memory_space<hbm>>
      tpu.wait_dma2 semaphore(%run_scoped3A_52 : memref<!tpu.dma_semaphore, #tpu.memory_space<semaphore_mem>>) src(%dma_wait3A_67 : memref<4x128xi32, #tpu.memory_space<hbm>>) dst(%dma_wait3A_63 : memref<4x128xi32, #tpu.memory_space<vmem_shared>>)
      tpu.yield
    }) : () -> ()
    %run_scoped3A_3 = arith.constant 1 : i32
    "tpu.region"() ({
      %run_scoped3A_52 = tpu.sem_alloc : memref<!tpu.dma_semaphore, #tpu.memory_space<semaphore_mem>>
      %dma_start3A = arith.constant 0 : i32
      %dma_start3A_53 = arith.constant 0 : i32
      %dma_start3A_54 = tpu.memref_slice %arg10[%arg1, %run_scoped3A_3, %dma_start3A, %dma_start3A_53] : memref<16x2x4x128xi32, #tpu.memory_space<vmem_shared>> -> memref<1x1x4x128xi32, #tpu.memory_space<vmem_shared>>
      %dma_start3A_55 = tpu.memref_squeeze %dma_start3A_54 : memref<1x1x4x128xi32, #tpu.memory_space<vmem_shared>> -> memref<4x128xi32, #tpu.memory_space<vmem_shared>>
      %dma_start3A_56 = arith.constant 0 : i32
      %dma_start3A_57 = arith.constant 0 : i32
      %dma_start3A_58 = tpu.memref_slice %arg3[%add3A, %dma_start3A_56, %dma_start3A_57] : memref<32x4x128xi32, #tpu.memory_space<hbm>> -> memref<1x4x128xi32, #tpu.memory_space<hbm>>
      %dma_start3A_59 = tpu.memref_squeeze %dma_start3A_58 : memref<1x4x128xi32, #tpu.memory_space<hbm>> -> memref<4x128xi32, #tpu.memory_space<hbm>>
      tpu.enqueue_dma source(%dma_start3A_59 : memref<4x128xi32, #tpu.memory_space<hbm>>) target(%dma_start3A_55 : memref<4x128xi32, #tpu.memory_space<vmem_shared>>) target_semaphore(%run_scoped3A_52 : memref<!tpu.dma_semaphore, #tpu.memory_space<semaphore_mem>>)
      %dma_wait3A_60 = arith.constant 0 : i32
      %dma_wait3A_61 = arith.constant 0 : i32
      %dma_wait3A_62 = tpu.memref_slice %arg10[%arg1, %run_scoped3A_3, %dma_wait3A_60, %dma_wait3A_61] : memref<16x2x4x128xi32, #tpu.memory_space<vmem_shared>> -> memref<1x1x4x128xi32, #tpu.memory_space<vmem_shared>>
      %dma_wait3A_63 = tpu.memref_squeeze %dma_wait3A_62 : memref<1x1x4x128xi32, #tpu.memory_space<vmem_shared>> -> memref<4x128xi32, #tpu.memory_space<vmem_shared>>
      %dma_wait3A_64 = arith.constant 0 : i32
      %dma_wait3A_65 = arith.constant 0 : i32
      %dma_wait3A_66 = tpu.memref_slice %arg3[%add3A, %dma_wait3A_64, %dma_wait3A_65] : memref<32x4x128xi32, #tpu.memory_space<hbm>> -> memref<1x4x128xi32, #tpu.memory_space<hbm>>
      %dma_wait3A_67 = tpu.memref_squeeze %dma_wait3A_66 : memref<1x4x128xi32, #tpu.memory_space<hbm>> -> memref<4x128xi32, #tpu.memory_space<hbm>>
      tpu.wait_dma2 semaphore(%run_scoped3A_52 : memref<!tpu.dma_semaphore, #tpu.memory_space<semaphore_mem>>) src(%dma_wait3A_67 : memref<4x128xi32, #tpu.memory_space<hbm>>) dst(%dma_wait3A_63 : memref<4x128xi32, #tpu.memory_space<vmem_shared>>)
      tpu.yield
    }) : () -> ()
    %run_scoped3A_4 = arith.constant 0 : i32
    "tpu.region"() ({
      %run_scoped3A_52 = tpu.sem_alloc : memref<!tpu.dma_semaphore, #tpu.memory_space<semaphore_mem>>
      %dma_start3A = arith.constant 0 : i32
      %dma_start3A_53 = arith.constant 0 : i32
      %dma_start3A_54 = tpu.memref_slice %arg10[%arg1, %run_scoped3A_4, %dma_start3A, %dma_start3A_53] : memref<16x2x4x128xi32, #tpu.memory_space<vmem_shared>> -> memref<1x1x4x128xi32, #tpu.memory_space<vmem_shared>>
      %dma_start3A_55 = tpu.memref_squeeze %dma_start3A_54 : memref<1x1x4x128xi32, #tpu.memory_space<vmem_shared>> -> memref<4x128xi32, #tpu.memory_space<vmem_shared>>
      tpu.enqueue_dma source(%dma_start3A_55 : memref<4x128xi32, #tpu.memory_space<vmem_shared>>) target(%arg8 : memref<4x128xi32, #tpu.memory_space<smem>>) target_semaphore(%run_scoped3A_52 : memref<!tpu.dma_semaphore, #tpu.memory_space<semaphore_mem>>)
      %dma_wait3A_56 = arith.constant 0 : i32
      %dma_wait3A_57 = arith.constant 0 : i32
      %dma_wait3A_58 = tpu.memref_slice %arg10[%arg1, %run_scoped3A_4, %dma_wait3A_56, %dma_wait3A_57] : memref<16x2x4x128xi32, #tpu.memory_space<vmem_shared>> -> memref<1x1x4x128xi32, #tpu.memory_space<vmem_shared>>
      %dma_wait3A_59 = tpu.memref_squeeze %dma_wait3A_58 : memref<1x1x4x128xi32, #tpu.memory_space<vmem_shared>> -> memref<4x128xi32, #tpu.memory_space<vmem_shared>>
      tpu.wait_dma2 semaphore(%run_scoped3A_52 : memref<!tpu.dma_semaphore, #tpu.memory_space<semaphore_mem>>) src(%dma_wait3A_59 : memref<4x128xi32, #tpu.memory_space<vmem_shared>>) dst(%arg8 : memref<4x128xi32, #tpu.memory_space<smem>>)
      tpu.yield
    }) : () -> ()
    %run_scoped3A_5 = arith.constant 1 : i32
    "tpu.region"() ({
      %run_scoped3A_52 = tpu.sem_alloc : memref<!tpu.dma_semaphore, #tpu.memory_space<semaphore_mem>>
      %dma_start3A = arith.constant 0 : i32
      %dma_start3A_53 = arith.constant 0 : i32
      %dma_start3A_54 = tpu.memref_slice %arg10[%arg1, %run_scoped3A_5, %dma_start3A, %dma_start3A_53] : memref<16x2x4x128xi32, #tpu.memory_space<vmem_shared>> -> memref<1x1x4x128xi32, #tpu.memory_space<vmem_shared>>
      %dma_start3A_55 = tpu.memref_squeeze %dma_start3A_54 : memref<1x1x4x128xi32, #tpu.memory_space<vmem_shared>> -> memref<4x128xi32, #tpu.memory_space<vmem_shared>>
      tpu.enqueue_dma source(%dma_start3A_55 : memref<4x128xi32, #tpu.memory_space<vmem_shared>>) target(%arg9 : memref<4x128xi32, #tpu.memory_space<smem>>) target_semaphore(%run_scoped3A_52 : memref<!tpu.dma_semaphore, #tpu.memory_space<semaphore_mem>>)
      %dma_wait3A_56 = arith.constant 0 : i32
      %dma_wait3A_57 = arith.constant 0 : i32
      %dma_wait3A_58 = tpu.memref_slice %arg10[%arg1, %run_scoped3A_5, %dma_wait3A_56, %dma_wait3A_57] : memref<16x2x4x128xi32, #tpu.memory_space<vmem_shared>> -> memref<1x1x4x128xi32, #tpu.memory_space<vmem_shared>>
      %dma_wait3A_59 = tpu.memref_squeeze %dma_wait3A_58 : memref<1x1x4x128xi32, #tpu.memory_space<vmem_shared>> -> memref<4x128xi32, #tpu.memory_space<vmem_shared>>
      tpu.wait_dma2 semaphore(%run_scoped3A_52 : memref<!tpu.dma_semaphore, #tpu.memory_space<semaphore_mem>>) src(%dma_wait3A_59 : memref<4x128xi32, #tpu.memory_space<vmem_shared>>) dst(%arg9 : memref<4x128xi32, #tpu.memory_space<smem>>)
      tpu.yield
    }) : () -> ()
    %scan3A = arith.constant 0 : i32
    %scan3A_6 = arith.constant 128 : i32
    %scan3A_7 = arith.addi %scan3A, %scan3A_6 : i32
    %scan3A_8 = arith.constant 1 : i32
    scf.for %scan3A_52 = %scan3A to %scan3A_7 step %scan3A_8  : i32 {
      %mul3A_53 = arith.constant 1 : i32
      %mul3A_54 = arith.muli %scan3A_52, %mul3A_53 : i32
      %add3A_55 = arith.constant 0 : i32
      %add3A_56 = arith.addi %add3A_55, %mul3A_54 : i32
      %add3A_57 = arith.constant 0 : i32
      %add3A_58 = arith.addi %add3A_57, %add3A_56 : i32
      %get3A = arith.constant 0 : i32
      %get3A_59 = arith.index_cast %get3A : i32 to index
      %get3A_60 = arith.index_cast %add3A_56 : i32 to index
      %get3A_61 = memref.load %arg8[%get3A_59, %get3A_60] : memref<4x128xi32, #tpu.memory_space<smem>>
      %dma_start3A = arith.constant 0 : i32
      %dma_start3A_62 = tpu.memref_slice %arg11[%add3A_58, %dma_start3A] : memref<256x32xf32, #tpu.memory_space<vmem>> -> memref<1x32xf32, #tpu.memory_space<vmem>>
      %dma_start3A_63 = arith.constant 0 : i32
      %dma_start3A_64 = tpu.memref_slice %arg4[%get3A_61, %dma_start3A_63] : memref<1000000x32xf32, #tpu.memory_space<hbm>> -> memref<1x32xf32, #tpu.memory_space<hbm>>
      %dma_start3A_65 = arith.constant 0 : i32
      %dma_start3A_66 = tpu.memref_slice %arg11[%add3A_58, %dma_start3A_65] : memref<256x32xf32, #tpu.memory_space<vmem>> -> memref<1x32xf32, #tpu.memory_space<vmem>>
      %dma_start3A_67 = arith.constant 0 : i32
      %dma_start3A_68 = tpu.memref_slice %arg4[%get3A_61, %dma_start3A_67] : memref<1000000x32xf32, #tpu.memory_space<hbm>> -> memref<1x32xf32, #tpu.memory_space<hbm>>
      tpu.enqueue_dma source(%dma_start3A_68 : memref<1x32xf32, #tpu.memory_space<hbm>>) target(%dma_start3A_66 : memref<1x32xf32, #tpu.memory_space<vmem>>) target_semaphore(%arg13 : memref<!tpu.dma_semaphore, #tpu.memory_space<semaphore_mem>>)
      %get3A_69 = arith.constant 0 : i32
      %get3A_70 = arith.index_cast %get3A_69 : i32 to index
      %get3A_71 = arith.index_cast %add3A_56 : i32 to index
      %get3A_72 = memref.load %arg9[%get3A_70, %get3A_71] : memref<4x128xi32, #tpu.memory_space<smem>>
      %dma_start3A_73 = arith.constant 0 : i32
      %dma_start3A_74 = tpu.memref_slice %arg12[%add3A_58, %dma_start3A_73] : memref<256x32xf32, #tpu.memory_space<vmem>> -> memref<1x32xf32, #tpu.memory_space<vmem>>
      %dma_start3A_75 = arith.constant 0 : i32
      %dma_start3A_76 = tpu.memref_slice %arg5[%get3A_72, %dma_start3A_75] : memref<1000000x32xf32, #tpu.memory_space<hbm>> -> memref<1x32xf32, #tpu.memory_space<hbm>>
      %dma_start3A_77 = arith.constant 0 : i32
      %dma_start3A_78 = tpu.memref_slice %arg12[%add3A_58, %dma_start3A_77] : memref<256x32xf32, #tpu.memory_space<vmem>> -> memref<1x32xf32, #tpu.memory_space<vmem>>
      %dma_start3A_79 = arith.constant 0 : i32
      %dma_start3A_80 = tpu.memref_slice %arg5[%get3A_72, %dma_start3A_79] : memref<1000000x32xf32, #tpu.memory_space<hbm>> -> memref<1x32xf32, #tpu.memory_space<hbm>>
      tpu.enqueue_dma source(%dma_start3A_80 : memref<1x32xf32, #tpu.memory_space<hbm>>) target(%dma_start3A_78 : memref<1x32xf32, #tpu.memory_space<vmem>>) target_semaphore(%arg13 : memref<!tpu.dma_semaphore, #tpu.memory_space<semaphore_mem>>)
    }
    %scan3A_9 = arith.constant 128 : i32
    %scan3A_10 = arith.constant 0 : i32
    %scan3A_11 = arith.constant 128 : i32
    %scan3A_12 = arith.addi %scan3A_10, %scan3A_11 : i32
    %scan3A_13 = arith.constant 1 : i32
    scf.for %scan3A_52 = %scan3A_10 to %scan3A_12 step %scan3A_13  : i32 {
      %mul3A_53 = arith.constant 1 : i32
      %mul3A_54 = arith.muli %scan3A_52, %mul3A_53 : i32
      %add3A_55 = arith.constant 0 : i32
      %add3A_56 = arith.addi %add3A_55, %mul3A_54 : i32
      %add3A_57 = arith.constant 128 : i32
      %add3A_58 = arith.addi %add3A_57, %add3A_56 : i32
      %get3A = arith.constant 1 : i32
      %get3A_59 = arith.index_cast %get3A : i32 to index
      %get3A_60 = arith.index_cast %add3A_56 : i32 to index
      %get3A_61 = memref.load %arg8[%get3A_59, %get3A_60] : memref<4x128xi32, #tpu.memory_space<smem>>
      %dma_start3A = arith.constant 0 : i32
      %dma_start3A_62 = tpu.memref_slice %arg11[%add3A_58, %dma_start3A] : memref<256x32xf32, #tpu.memory_space<vmem>> -> memref<1x32xf32, #tpu.memory_space<vmem>>
      %dma_start3A_63 = arith.constant 0 : i32
      %dma_start3A_64 = tpu.memref_slice %arg4[%get3A_61, %dma_start3A_63] : memref<1000000x32xf32, #tpu.memory_space<hbm>> -> memref<1x32xf32, #tpu.memory_space<hbm>>
      %dma_start3A_65 = arith.constant 0 : i32
      %dma_start3A_66 = tpu.memref_slice %arg11[%add3A_58, %dma_start3A_65] : memref<256x32xf32, #tpu.memory_space<vmem>> -> memref<1x32xf32, #tpu.memory_space<vmem>>
      %dma_start3A_67 = arith.constant 0 : i32
      %dma_start3A_68 = tpu.memref_slice %arg4[%get3A_61, %dma_start3A_67] : memref<1000000x32xf32, #tpu.memory_space<hbm>> -> memref<1x32xf32, #tpu.memory_space<hbm>>
      tpu.enqueue_dma source(%dma_start3A_68 : memref<1x32xf32, #tpu.memory_space<hbm>>) target(%dma_start3A_66 : memref<1x32xf32, #tpu.memory_space<vmem>>) target_semaphore(%arg13 : memref<!tpu.dma_semaphore, #tpu.memory_space<semaphore_mem>>)
      %get3A_69 = arith.constant 1 : i32
      %get3A_70 = arith.index_cast %get3A_69 : i32 to index
      %get3A_71 = arith.index_cast %add3A_56 : i32 to index
      %get3A_72 = memref.load %arg9[%get3A_70, %get3A_71] : memref<4x128xi32, #tpu.memory_space<smem>>
      %dma_start3A_73 = arith.constant 0 : i32
      %dma_start3A_74 = tpu.memref_slice %arg12[%add3A_58, %dma_start3A_73] : memref<256x32xf32, #tpu.memory_space<vmem>> -> memref<1x32xf32, #tpu.memory_space<vmem>>
      %dma_start3A_75 = arith.constant 0 : i32
      %dma_start3A_76 = tpu.memref_slice %arg5[%get3A_72, %dma_start3A_75] : memref<1000000x32xf32, #tpu.memory_space<hbm>> -> memref<1x32xf32, #tpu.memory_space<hbm>>
      %dma_start3A_77 = arith.constant 0 : i32
      %dma_start3A_78 = tpu.memref_slice %arg12[%add3A_58, %dma_start3A_77] : memref<256x32xf32, #tpu.memory_space<vmem>> -> memref<1x32xf32, #tpu.memory_space<vmem>>
      %dma_start3A_79 = arith.constant 0 : i32
      %dma_start3A_80 = tpu.memref_slice %arg5[%get3A_72, %dma_start3A_79] : memref<1000000x32xf32, #tpu.memory_space<hbm>> -> memref<1x32xf32, #tpu.memory_space<hbm>>
      tpu.enqueue_dma source(%dma_start3A_80 : memref<1x32xf32, #tpu.memory_space<hbm>>) target(%dma_start3A_78 : memref<1x32xf32, #tpu.memory_space<vmem>>) target_semaphore(%arg13 : memref<!tpu.dma_semaphore, #tpu.memory_space<semaphore_mem>>)
    }
    %scan3A_14 = arith.constant 128 : i32
    %add3A_15 = arith.constant 0 : i32
    %add3A_16 = arith.addi %mul3A_2, %add3A_15 : i32
    %dma_wait3A = arith.constant 0 : i32
    %dma_wait3A_17 = arith.constant 0 : i32
    %dma_wait3A_18 = tpu.memref_slice %arg4[%dma_wait3A, %dma_wait3A_17] : memref<1000000x32xf32, #tpu.memory_space<hbm>> -> memref<256x32xf32, #tpu.memory_space<hbm>>
    %dma_wait3A_19 = arith.constant 0 : i32
    %dma_wait3A_20 = arith.constant 0 : i32
    %dma_wait3A_21 = tpu.memref_slice %arg4[%dma_wait3A_19, %dma_wait3A_20] : memref<1000000x32xf32, #tpu.memory_space<hbm>> -> memref<256x32xf32, #tpu.memory_space<hbm>>
    tpu.wait_dma2 semaphore(%arg13 : memref<!tpu.dma_semaphore, #tpu.memory_space<semaphore_mem>>) src(%dma_wait3A_21 : memref<256x32xf32, #tpu.memory_space<hbm>>) dst(%arg11 : memref<256x32xf32, #tpu.memory_space<vmem>>)
    %dma_wait3A_22 = arith.constant 0 : i32
    %dma_wait3A_23 = arith.constant 0 : i32
    %dma_wait3A_24 = tpu.memref_slice %arg5[%dma_wait3A_22, %dma_wait3A_23] : memref<1000000x32xf32, #tpu.memory_space<hbm>> -> memref<256x32xf32, #tpu.memory_space<hbm>>
    %dma_wait3A_25 = arith.constant 0 : i32
    %dma_wait3A_26 = arith.constant 0 : i32
    %dma_wait3A_27 = tpu.memref_slice %arg5[%dma_wait3A_25, %dma_wait3A_26] : memref<1000000x32xf32, #tpu.memory_space<hbm>> -> memref<256x32xf32, #tpu.memory_space<hbm>>
    tpu.wait_dma2 semaphore(%arg13 : memref<!tpu.dma_semaphore, #tpu.memory_space<semaphore_mem>>) src(%dma_wait3A_27 : memref<256x32xf32, #tpu.memory_space<hbm>>) dst(%arg12 : memref<256x32xf32, #tpu.memory_space<vmem>>)
    "tpu.region"() ({
      %run_scoped3A_52 = tpu.sem_alloc : memref<!tpu.dma_semaphore, #tpu.memory_space<semaphore_mem>>
      %dma_start3A = arith.constant 0 : i32
      %dma_start3A_53 = tpu.memref_slice %arg6[%add3A_16, %dma_start3A] : memref<16384x32xf32, #tpu.memory_space<hbm>> -> memref<256x32xf32, #tpu.memory_space<hbm>>
      %dma_start3A_54 = arith.constant 0 : i32
      %dma_start3A_55 = tpu.memref_slice %arg6[%add3A_16, %dma_start3A_54] : memref<16384x32xf32, #tpu.memory_space<hbm>> -> memref<256x32xf32, #tpu.memory_space<hbm>>
      tpu.enqueue_dma source(%arg11 : memref<256x32xf32, #tpu.memory_space<vmem>>) target(%dma_start3A_55 : memref<256x32xf32, #tpu.memory_space<hbm>>) target_semaphore(%run_scoped3A_52 : memref<!tpu.dma_semaphore, #tpu.memory_space<semaphore_mem>>)
      %dma_wait3A_56 = arith.constant 0 : i32
      %dma_wait3A_57 = tpu.memref_slice %arg6[%add3A_16, %dma_wait3A_56] : memref<16384x32xf32, #tpu.memory_space<hbm>> -> memref<256x32xf32, #tpu.memory_space<hbm>>
      %dma_wait3A_58 = arith.constant 0 : i32
      %dma_wait3A_59 = tpu.memref_slice %arg6[%add3A_16, %dma_wait3A_58] : memref<16384x32xf32, #tpu.memory_space<hbm>> -> memref<256x32xf32, #tpu.memory_space<hbm>>
      tpu.wait_dma2 semaphore(%run_scoped3A_52 : memref<!tpu.dma_semaphore, #tpu.memory_space<semaphore_mem>>) src(%arg11 : memref<256x32xf32, #tpu.memory_space<vmem>>) dst(%dma_wait3A_59 : memref<256x32xf32, #tpu.memory_space<hbm>>)
      tpu.yield
    }) : () -> ()
    "tpu.region"() ({
      %run_scoped3A_52 = tpu.sem_alloc : memref<!tpu.dma_semaphore, #tpu.memory_space<semaphore_mem>>
      %dma_start3A = arith.constant 0 : i32
      %dma_start3A_53 = tpu.memref_slice %arg7[%add3A_16, %dma_start3A] : memref<16384x32xf32, #tpu.memory_space<hbm>> -> memref<256x32xf32, #tpu.memory_space<hbm>>
      %dma_start3A_54 = arith.constant 0 : i32
      %dma_start3A_55 = tpu.memref_slice %arg7[%add3A_16, %dma_start3A_54] : memref<16384x32xf32, #tpu.memory_space<hbm>> -> memref<256x32xf32, #tpu.memory_space<hbm>>
      tpu.enqueue_dma source(%arg12 : memref<256x32xf32, #tpu.memory_space<vmem>>) target(%dma_start3A_55 : memref<256x32xf32, #tpu.memory_space<hbm>>) target_semaphore(%run_scoped3A_52 : memref<!tpu.dma_semaphore, #tpu.memory_space<semaphore_mem>>)
      %dma_wait3A_56 = arith.constant 0 : i32
      %dma_wait3A_57 = tpu.memref_slice %arg7[%add3A_16, %dma_wait3A_56] : memref<16384x32xf32, #tpu.memory_space<hbm>> -> memref<256x32xf32, #tpu.memory_space<hbm>>
      %dma_wait3A_58 = arith.constant 0 : i32
      %dma_wait3A_59 = tpu.memref_slice %arg7[%add3A_16, %dma_wait3A_58] : memref<16384x32xf32, #tpu.memory_space<hbm>> -> memref<256x32xf32, #tpu.memory_space<hbm>>
      tpu.wait_dma2 semaphore(%run_scoped3A_52 : memref<!tpu.dma_semaphore, #tpu.memory_space<semaphore_mem>>) src(%arg12 : memref<256x32xf32, #tpu.memory_space<vmem>>) dst(%dma_wait3A_59 : memref<256x32xf32, #tpu.memory_space<hbm>>)
      tpu.yield
    }) : () -> ()
    %scan3A_28 = arith.constant 0 : i32
    %scan3A_29 = arith.constant 128 : i32
    %scan3A_30 = arith.addi %scan3A_28, %scan3A_29 : i32
    %scan3A_31 = arith.constant 1 : i32
    scf.for %scan3A_52 = %scan3A_28 to %scan3A_30 step %scan3A_31  : i32 {
      %mul3A_53 = arith.constant 1 : i32
      %mul3A_54 = arith.muli %scan3A_52, %mul3A_53 : i32
      %add3A_55 = arith.constant 0 : i32
      %add3A_56 = arith.addi %add3A_55, %mul3A_54 : i32
      %add3A_57 = arith.constant 0 : i32
      %add3A_58 = arith.addi %add3A_57, %add3A_56 : i32
      %get3A = arith.constant 2 : i32
      %get3A_59 = arith.index_cast %get3A : i32 to index
      %get3A_60 = arith.index_cast %add3A_56 : i32 to index
      %get3A_61 = memref.load %arg8[%get3A_59, %get3A_60] : memref<4x128xi32, #tpu.memory_space<smem>>
      %dma_start3A = arith.constant 0 : i32
      %dma_start3A_62 = tpu.memref_slice %arg11[%add3A_58, %dma_start3A] : memref<256x32xf32, #tpu.memory_space<vmem>> -> memref<1x32xf32, #tpu.memory_space<vmem>>
      %dma_start3A_63 = arith.constant 0 : i32
      %dma_start3A_64 = tpu.memref_slice %arg4[%get3A_61, %dma_start3A_63] : memref<1000000x32xf32, #tpu.memory_space<hbm>> -> memref<1x32xf32, #tpu.memory_space<hbm>>
      %dma_start3A_65 = arith.constant 0 : i32
      %dma_start3A_66 = tpu.memref_slice %arg11[%add3A_58, %dma_start3A_65] : memref<256x32xf32, #tpu.memory_space<vmem>> -> memref<1x32xf32, #tpu.memory_space<vmem>>
      %dma_start3A_67 = arith.constant 0 : i32
      %dma_start3A_68 = tpu.memref_slice %arg4[%get3A_61, %dma_start3A_67] : memref<1000000x32xf32, #tpu.memory_space<hbm>> -> memref<1x32xf32, #tpu.memory_space<hbm>>
      tpu.enqueue_dma source(%dma_start3A_68 : memref<1x32xf32, #tpu.memory_space<hbm>>) target(%dma_start3A_66 : memref<1x32xf32, #tpu.memory_space<vmem>>) target_semaphore(%arg13 : memref<!tpu.dma_semaphore, #tpu.memory_space<semaphore_mem>>)
      %get3A_69 = arith.constant 2 : i32
      %get3A_70 = arith.index_cast %get3A_69 : i32 to index
      %get3A_71 = arith.index_cast %add3A_56 : i32 to index
      %get3A_72 = memref.load %arg9[%get3A_70, %get3A_71] : memref<4x128xi32, #tpu.memory_space<smem>>
      %dma_start3A_73 = arith.constant 0 : i32
      %dma_start3A_74 = tpu.memref_slice %arg12[%add3A_58, %dma_start3A_73] : memref<256x32xf32, #tpu.memory_space<vmem>> -> memref<1x32xf32, #tpu.memory_space<vmem>>
      %dma_start3A_75 = arith.constant 0 : i32
      %dma_start3A_76 = tpu.memref_slice %arg5[%get3A_72, %dma_start3A_75] : memref<1000000x32xf32, #tpu.memory_space<hbm>> -> memref<1x32xf32, #tpu.memory_space<hbm>>
      %dma_start3A_77 = arith.constant 0 : i32
      %dma_start3A_78 = tpu.memref_slice %arg12[%add3A_58, %dma_start3A_77] : memref<256x32xf32, #tpu.memory_space<vmem>> -> memref<1x32xf32, #tpu.memory_space<vmem>>
      %dma_start3A_79 = arith.constant 0 : i32
      %dma_start3A_80 = tpu.memref_slice %arg5[%get3A_72, %dma_start3A_79] : memref<1000000x32xf32, #tpu.memory_space<hbm>> -> memref<1x32xf32, #tpu.memory_space<hbm>>
      tpu.enqueue_dma source(%dma_start3A_80 : memref<1x32xf32, #tpu.memory_space<hbm>>) target(%dma_start3A_78 : memref<1x32xf32, #tpu.memory_space<vmem>>) target_semaphore(%arg13 : memref<!tpu.dma_semaphore, #tpu.memory_space<semaphore_mem>>)
    }
    %scan3A_32 = arith.constant 128 : i32
    %scan3A_33 = arith.constant 0 : i32
    %scan3A_34 = arith.constant 128 : i32
    %scan3A_35 = arith.addi %scan3A_33, %scan3A_34 : i32
    %scan3A_36 = arith.constant 1 : i32
    scf.for %scan3A_52 = %scan3A_33 to %scan3A_35 step %scan3A_36  : i32 {
      %mul3A_53 = arith.constant 1 : i32
      %mul3A_54 = arith.muli %scan3A_52, %mul3A_53 : i32
      %add3A_55 = arith.constant 0 : i32
      %add3A_56 = arith.addi %add3A_55, %mul3A_54 : i32
      %add3A_57 = arith.constant 128 : i32
      %add3A_58 = arith.addi %add3A_57, %add3A_56 : i32
      %get3A = arith.constant 3 : i32
      %get3A_59 = arith.index_cast %get3A : i32 to index
      %get3A_60 = arith.index_cast %add3A_56 : i32 to index
      %get3A_61 = memref.load %arg8[%get3A_59, %get3A_60] : memref<4x128xi32, #tpu.memory_space<smem>>
      %dma_start3A = arith.constant 0 : i32
      %dma_start3A_62 = tpu.memref_slice %arg11[%add3A_58, %dma_start3A] : memref<256x32xf32, #tpu.memory_space<vmem>> -> memref<1x32xf32, #tpu.memory_space<vmem>>
      %dma_start3A_63 = arith.constant 0 : i32
      %dma_start3A_64 = tpu.memref_slice %arg4[%get3A_61, %dma_start3A_63] : memref<1000000x32xf32, #tpu.memory_space<hbm>> -> memref<1x32xf32, #tpu.memory_space<hbm>>
      %dma_start3A_65 = arith.constant 0 : i32
      %dma_start3A_66 = tpu.memref_slice %arg11[%add3A_58, %dma_start3A_65] : memref<256x32xf32, #tpu.memory_space<vmem>> -> memref<1x32xf32, #tpu.memory_space<vmem>>
      %dma_start3A_67 = arith.constant 0 : i32
      %dma_start3A_68 = tpu.memref_slice %arg4[%get3A_61, %dma_start3A_67] : memref<1000000x32xf32, #tpu.memory_space<hbm>> -> memref<1x32xf32, #tpu.memory_space<hbm>>
      tpu.enqueue_dma source(%dma_start3A_68 : memref<1x32xf32, #tpu.memory_space<hbm>>) target(%dma_start3A_66 : memref<1x32xf32, #tpu.memory_space<vmem>>) target_semaphore(%arg13 : memref<!tpu.dma_semaphore, #tpu.memory_space<semaphore_mem>>)
      %get3A_69 = arith.constant 3 : i32
      %get3A_70 = arith.index_cast %get3A_69 : i32 to index
      %get3A_71 = arith.index_cast %add3A_56 : i32 to index
      %get3A_72 = memref.load %arg9[%get3A_70, %get3A_71] : memref<4x128xi32, #tpu.memory_space<smem>>
      %dma_start3A_73 = arith.constant 0 : i32
      %dma_start3A_74 = tpu.memref_slice %arg12[%add3A_58, %dma_start3A_73] : memref<256x32xf32, #tpu.memory_space<vmem>> -> memref<1x32xf32, #tpu.memory_space<vmem>>
      %dma_start3A_75 = arith.constant 0 : i32
      %dma_start3A_76 = tpu.memref_slice %arg5[%get3A_72, %dma_start3A_75] : memref<1000000x32xf32, #tpu.memory_space<hbm>> -> memref<1x32xf32, #tpu.memory_space<hbm>>
      %dma_start3A_77 = arith.constant 0 : i32
      %dma_start3A_78 = tpu.memref_slice %arg12[%add3A_58, %dma_start3A_77] : memref<256x32xf32, #tpu.memory_space<vmem>> -> memref<1x32xf32, #tpu.memory_space<vmem>>
      %dma_start3A_79 = arith.constant 0 : i32
      %dma_start3A_80 = tpu.memref_slice %arg5[%get3A_72, %dma_start3A_79] : memref<1000000x32xf32, #tpu.memory_space<hbm>> -> memref<1x32xf32, #tpu.memory_space<hbm>>
      tpu.enqueue_dma source(%dma_start3A_80 : memref<1x32xf32, #tpu.memory_space<hbm>>) target(%dma_start3A_78 : memref<1x32xf32, #tpu.memory_space<vmem>>) target_semaphore(%arg13 : memref<!tpu.dma_semaphore, #tpu.memory_space<semaphore_mem>>)
    }
    %scan3A_37 = arith.constant 128 : i32
    %add3A_38 = arith.constant 256 : i32
    %add3A_39 = arith.addi %mul3A_2, %add3A_38 : i32
    %dma_wait3A_40 = arith.constant 0 : i32
    %dma_wait3A_41 = arith.constant 0 : i32
    %dma_wait3A_42 = tpu.memref_slice %arg4[%dma_wait3A_40, %dma_wait3A_41] : memref<1000000x32xf32, #tpu.memory_space<hbm>> -> memref<256x32xf32, #tpu.memory_space<hbm>>
    %dma_wait3A_43 = arith.constant 0 : i32
    %dma_wait3A_44 = arith.constant 0 : i32
    %dma_wait3A_45 = tpu.memref_slice %arg4[%dma_wait3A_43, %dma_wait3A_44] : memref<1000000x32xf32, #tpu.memory_space<hbm>> -> memref<256x32xf32, #tpu.memory_space<hbm>>
    tpu.wait_dma2 semaphore(%arg13 : memref<!tpu.dma_semaphore, #tpu.memory_space<semaphore_mem>>) src(%dma_wait3A_45 : memref<256x32xf32, #tpu.memory_space<hbm>>) dst(%arg11 : memref<256x32xf32, #tpu.memory_space<vmem>>)
    %dma_wait3A_46 = arith.constant 0 : i32
    %dma_wait3A_47 = arith.constant 0 : i32
    %dma_wait3A_48 = tpu.memref_slice %arg5[%dma_wait3A_46, %dma_wait3A_47] : memref<1000000x32xf32, #tpu.memory_space<hbm>> -> memref<256x32xf32, #tpu.memory_space<hbm>>
    %dma_wait3A_49 = arith.constant 0 : i32
    %dma_wait3A_50 = arith.constant 0 : i32
    %dma_wait3A_51 = tpu.memref_slice %arg5[%dma_wait3A_49, %dma_wait3A_50] : memref<1000000x32xf32, #tpu.memory_space<hbm>> -> memref<256x32xf32, #tpu.memory_space<hbm>>
    tpu.wait_dma2 semaphore(%arg13 : memref<!tpu.dma_semaphore, #tpu.memory_space<semaphore_mem>>) src(%dma_wait3A_51 : memref<256x32xf32, #tpu.memory_space<hbm>>) dst(%arg12 : memref<256x32xf32, #tpu.memory_space<vmem>>)
    "tpu.region"() ({
      %run_scoped3A_52 = tpu.sem_alloc : memref<!tpu.dma_semaphore, #tpu.memory_space<semaphore_mem>>
      %dma_start3A = arith.constant 0 : i32
      %dma_start3A_53 = tpu.memref_slice %arg6[%add3A_39, %dma_start3A] : memref<16384x32xf32, #tpu.memory_space<hbm>> -> memref<256x32xf32, #tpu.memory_space<hbm>>
      %dma_start3A_54 = arith.constant 0 : i32
      %dma_start3A_55 = tpu.memref_slice %arg6[%add3A_39, %dma_start3A_54] : memref<16384x32xf32, #tpu.memory_space<hbm>> -> memref<256x32xf32, #tpu.memory_space<hbm>>
      tpu.enqueue_dma source(%arg11 : memref<256x32xf32, #tpu.memory_space<vmem>>) target(%dma_start3A_55 : memref<256x32xf32, #tpu.memory_space<hbm>>) target_semaphore(%run_scoped3A_52 : memref<!tpu.dma_semaphore, #tpu.memory_space<semaphore_mem>>)
      %dma_wait3A_56 = arith.constant 0 : i32
      %dma_wait3A_57 = tpu.memref_slice %arg6[%add3A_39, %dma_wait3A_56] : memref<16384x32xf32, #tpu.memory_space<hbm>> -> memref<256x32xf32, #tpu.memory_space<hbm>>
      %dma_wait3A_58 = arith.constant 0 : i32
      %dma_wait3A_59 = tpu.memref_slice %arg6[%add3A_39, %dma_wait3A_58] : memref<16384x32xf32, #tpu.memory_space<hbm>> -> memref<256x32xf32, #tpu.memory_space<hbm>>
      tpu.wait_dma2 semaphore(%run_scoped3A_52 : memref<!tpu.dma_semaphore, #tpu.memory_space<semaphore_mem>>) src(%arg11 : memref<256x32xf32, #tpu.memory_space<vmem>>) dst(%dma_wait3A_59 : memref<256x32xf32, #tpu.memory_space<hbm>>)
      tpu.yield
    }) : () -> ()
    "tpu.region"() ({
      %run_scoped3A_52 = tpu.sem_alloc : memref<!tpu.dma_semaphore, #tpu.memory_space<semaphore_mem>>
      %dma_start3A = arith.constant 0 : i32
      %dma_start3A_53 = tpu.memref_slice %arg7[%add3A_39, %dma_start3A] : memref<16384x32xf32, #tpu.memory_space<hbm>> -> memref<256x32xf32, #tpu.memory_space<hbm>>
      %dma_start3A_54 = arith.constant 0 : i32
      %dma_start3A_55 = tpu.memref_slice %arg7[%add3A_39, %dma_start3A_54] : memref<16384x32xf32, #tpu.memory_space<hbm>> -> memref<256x32xf32, #tpu.memory_space<hbm>>
      tpu.enqueue_dma source(%arg12 : memref<256x32xf32, #tpu.memory_space<vmem>>) target(%dma_start3A_55 : memref<256x32xf32, #tpu.memory_space<hbm>>) target_semaphore(%run_scoped3A_52 : memref<!tpu.dma_semaphore, #tpu.memory_space<semaphore_mem>>)
      %dma_wait3A_56 = arith.constant 0 : i32
      %dma_wait3A_57 = tpu.memref_slice %arg7[%add3A_39, %dma_wait3A_56] : memref<16384x32xf32, #tpu.memory_space<hbm>> -> memref<256x32xf32, #tpu.memory_space<hbm>>
      %dma_wait3A_58 = arith.constant 0 : i32
      %dma_wait3A_59 = tpu.memref_slice %arg7[%add3A_39, %dma_wait3A_58] : memref<16384x32xf32, #tpu.memory_space<hbm>> -> memref<256x32xf32, #tpu.memory_space<hbm>>
      tpu.wait_dma2 semaphore(%run_scoped3A_52 : memref<!tpu.dma_semaphore, #tpu.memory_space<semaphore_mem>>) src(%arg12 : memref<256x32xf32, #tpu.memory_space<vmem>>) dst(%dma_wait3A_59 : memref<256x32xf32, #tpu.memory_space<hbm>>)
      tpu.yield
    }) : () -> ()
    return
  }
}

module attributes {stable_mosaic.version = 14 : i64} {
  func.func @_mlp_body(%arg0: i32, %arg1: memref<2048x32xf32, #tpu.memory_space<vmem>>, %arg2: memref<2048x32xf32, #tpu.memory_space<vmem>>, %arg3: memref<32x64xf32, #tpu.memory_space<vmem>>, %arg4: memref<32x64xf32, #tpu.memory_space<vmem>>, %arg5: memref<1x64xf32, #tpu.memory_space<vmem>>, %arg6: memref<64x32xf32, #tpu.memory_space<vmem>>, %arg7: memref<1x32xf32, #tpu.memory_space<vmem>>, %arg8: memref<32x1xf32, #tpu.memory_space<vmem>>, %arg9: memref<1x1xf32, #tpu.memory_space<vmem>>, %arg10: memref<2048x1xf32, #tpu.memory_space<vmem>>) attributes {dimension_semantics = [#tpu.dimension_semantics<arbitrary>], iteration_bounds = array<i64: 8>, scalar_prefetch = 0 : i64, scratch_operands = 0 : i64, tpu.core_type = #tpu.core_type<tc>, window_params = [{transform_indices = @transform_0, window_bounds = array<i64: 2048, 32>}, {transform_indices = @transform_1, window_bounds = array<i64: 2048, 32>}, {pipeline_mode = #tpu.pipeline_mode<synchronous>, transform_indices = @transform_2, window_bounds = array<i64: 32, 64>}, {pipeline_mode = #tpu.pipeline_mode<synchronous>, transform_indices = @transform_3, window_bounds = array<i64: 32, 64>}, {pipeline_mode = #tpu.pipeline_mode<synchronous>, transform_indices = @transform_4, window_bounds = array<i64: 1, 64>}, {pipeline_mode = #tpu.pipeline_mode<synchronous>, transform_indices = @transform_5, window_bounds = array<i64: 64, 32>}, {pipeline_mode = #tpu.pipeline_mode<synchronous>, transform_indices = @transform_6, window_bounds = array<i64: 1, 32>}, {pipeline_mode = #tpu.pipeline_mode<synchronous>, transform_indices = @transform_7, window_bounds = array<i64: 32, 1>}, {pipeline_mode = #tpu.pipeline_mode<synchronous>, transform_indices = @transform_8, window_bounds = array<i64: 1, 1>}, {transform_indices = @transform_9, window_bounds = array<i64: 2048, 1>}]} {
    %get3A = arith.constant 0 : index
    %get3A_0 = arith.constant 0 : index
    %get3A_1 = vector.load %arg1[%get3A, %get3A_0] : memref<2048x32xf32, #tpu.memory_space<vmem>>, vector<2048x32xf32>
    %get3A_2 = arith.constant 0 : index
    %get3A_3 = arith.constant 0 : index
    %get3A_4 = vector.load %arg3[%get3A_2, %get3A_3] : memref<32x64xf32, #tpu.memory_space<vmem>>, vector<32x64xf32>
    %dot_general3A = arith.constant dense<0.000000e+00> : vector<2048x64xf32>
    %dot_general3A_5 = tpu.matmul %get3A_1, %get3A_4, %dot_general3A {dimension_numbers = #tpu.dot_dimension_numbers<[1], [0], [0], [1], [0, 0, 1, 1], [], []>, transpose_lhs_hint = false} : vector<2048x32xf32>, vector<32x64xf32>, vector<2048x64xf32> -> vector<2048x64xf32>
    %get3A_6 = arith.constant 0 : index
    %get3A_7 = arith.constant 0 : index
    %get3A_8 = vector.load %arg2[%get3A_6, %get3A_7] : memref<2048x32xf32, #tpu.memory_space<vmem>>, vector<2048x32xf32>
    %get3A_9 = arith.constant 0 : index
    %get3A_10 = arith.constant 0 : index
    %get3A_11 = vector.load %arg4[%get3A_9, %get3A_10] : memref<32x64xf32, #tpu.memory_space<vmem>>, vector<32x64xf32>
    %dot_general3A_12 = arith.constant dense<0.000000e+00> : vector<2048x64xf32>
    %dot_general3A_13 = tpu.matmul %get3A_8, %get3A_11, %dot_general3A_12 {dimension_numbers = #tpu.dot_dimension_numbers<[1], [0], [0], [1], [0, 0, 1, 1], [], []>, transpose_lhs_hint = false} : vector<2048x32xf32>, vector<32x64xf32>, vector<2048x64xf32> -> vector<2048x64xf32>
    %add3A = arith.addf %dot_general3A_5, %dot_general3A_13 : vector<2048x64xf32>
    %get3A_14 = arith.constant 0 : index
    %get3A_15 = arith.constant 0 : index
    %get3A_16 = vector.load %arg5[%get3A_14, %get3A_15] : memref<1x64xf32, #tpu.memory_space<vmem>>, vector<1x64xf32>
    %add3A_17 = vector.broadcast %get3A_16 : vector<1x64xf32> to vector<2048x64xf32>
    %add3A_18 = arith.addf %add3A, %add3A_17 : vector<2048x64xf32>
    %max3A = arith.constant 0.000000e+00 : f32
    %max3A_19 = vector.broadcast %max3A : f32 to vector<2048x64xf32>
    %max3A_20 = arith.maximumf %add3A_18, %max3A_19 : vector<2048x64xf32>
    %get3A_21 = arith.constant 0 : index
    %get3A_22 = arith.constant 0 : index
    %get3A_23 = vector.load %arg6[%get3A_21, %get3A_22] : memref<64x32xf32, #tpu.memory_space<vmem>>, vector<64x32xf32>
    %dot_general3A_24 = arith.constant dense<0.000000e+00> : vector<2048x32xf32>
    %dot_general3A_25 = tpu.matmul %max3A_20, %get3A_23, %dot_general3A_24 {dimension_numbers = #tpu.dot_dimension_numbers<[1], [0], [0], [1], [0, 0, 1, 1], [], []>, transpose_lhs_hint = false} : vector<2048x64xf32>, vector<64x32xf32>, vector<2048x32xf32> -> vector<2048x32xf32>
    %get3A_26 = arith.constant 0 : index
    %get3A_27 = arith.constant 0 : index
    %get3A_28 = vector.load %arg7[%get3A_26, %get3A_27] : memref<1x32xf32, #tpu.memory_space<vmem>>, vector<1x32xf32>
    %add3A_29 = vector.broadcast %get3A_28 : vector<1x32xf32> to vector<2048x32xf32>
    %add3A_30 = arith.addf %dot_general3A_25, %add3A_29 : vector<2048x32xf32>
    %max3A_31 = arith.constant 0.000000e+00 : f32
    %max3A_32 = vector.broadcast %max3A_31 : f32 to vector<2048x32xf32>
    %max3A_33 = arith.maximumf %add3A_30, %max3A_32 : vector<2048x32xf32>
    %get3A_34 = arith.constant 0 : index
    %get3A_35 = arith.constant 0 : index
    %get3A_36 = vector.load %arg8[%get3A_34, %get3A_35] : memref<32x1xf32, #tpu.memory_space<vmem>>, vector<32x1xf32>
    %dot_general3A_37 = arith.constant dense<0.000000e+00> : vector<2048x1xf32>
    %dot_general3A_38 = tpu.matmul %max3A_33, %get3A_36, %dot_general3A_37 {dimension_numbers = #tpu.dot_dimension_numbers<[1], [0], [0], [1], [0, 0, 1, 1], [], []>, transpose_lhs_hint = false} : vector<2048x32xf32>, vector<32x1xf32>, vector<2048x1xf32> -> vector<2048x1xf32>
    %get3A_39 = arith.constant 0 : index
    %get3A_40 = arith.constant 0 : index
    %get3A_41 = vector.load %arg9[%get3A_39, %get3A_40] : memref<1x1xf32, #tpu.memory_space<vmem>>, vector<1x1xf32>
    %add3A_42 = vector.broadcast %get3A_41 : vector<1x1xf32> to vector<2048x1xf32>
    %add3A_43 = arith.addf %dot_general3A_38, %add3A_42 : vector<2048x1xf32>
    %jit3A = arith.constant 1.000000e+00 : f32
    %jit3A_44 = arith.constant 5.000000e+00 : f32
    %max3A_45 = vector.broadcast %jit3A : f32 to vector<2048x1xf32>
    %max3A_46 = arith.maximumf %max3A_45, %add3A_43 : vector<2048x1xf32>
    %min3A = vector.broadcast %jit3A_44 : f32 to vector<2048x1xf32>
    %min3A_47 = arith.minimumf %min3A, %max3A_46 : vector<2048x1xf32>
    %swap3A = arith.constant 0 : index
    %swap3A_48 = arith.constant 0 : index
    %swap3A_49 = vector.load %arg10[%swap3A, %swap3A_48] : memref<2048x1xf32, #tpu.memory_space<vmem>>, vector<2048x1xf32>
    tpu.vector_store %arg10[%swap3A, %swap3A_48], %min3A_47 {strides = array<i32>} : memref<2048x1xf32, #tpu.memory_space<vmem>>, vector<2048x1xf32>,
    return
  }
  func.func @transform_0(%arg0: i32) -> (i32, i32) {
    %c0_i32 = arith.constant 0 : i32
    %c0_i32_0 = arith.constant 0 : i32
    return %arg0, %c0_i32 : i32, i32
  }
  func.func @transform_1(%arg0: i32) -> (i32, i32) {
    %c0_i32 = arith.constant 0 : i32
    %c0_i32_0 = arith.constant 0 : i32
    return %arg0, %c0_i32 : i32, i32
  }
  func.func @transform_2(%arg0: i32) -> (i32, i32) {
    %c0_i32 = arith.constant 0 : i32
    %c0_i32_0 = arith.constant 0 : i32
    %c0_i32_1 = arith.constant 0 : i32
    return %c0_i32, %c0_i32_0 : i32, i32
  }
  func.func @transform_3(%arg0: i32) -> (i32, i32) {
    %c0_i32 = arith.constant 0 : i32
    %c0_i32_0 = arith.constant 0 : i32
    %c0_i32_1 = arith.constant 0 : i32
    return %c0_i32, %c0_i32_0 : i32, i32
  }
  func.func @transform_4(%arg0: i32) -> (i32, i32) {
    %c0_i32 = arith.constant 0 : i32
    %c0_i32_0 = arith.constant 0 : i32
    %c0_i32_1 = arith.constant 0 : i32
    return %c0_i32, %c0_i32_0 : i32, i32
  }
  func.func @transform_5(%arg0: i32) -> (i32, i32) {
    %c0_i32 = arith.constant 0 : i32
    %c0_i32_0 = arith.constant 0 : i32
    %c0_i32_1 = arith.constant 0 : i32
    return %c0_i32, %c0_i32_0 : i32, i32
  }
  func.func @transform_6(%arg0: i32) -> (i32, i32) {
    %c0_i32 = arith.constant 0 : i32
    %c0_i32_0 = arith.constant 0 : i32
    %c0_i32_1 = arith.constant 0 : i32
    return %c0_i32, %c0_i32_0 : i32, i32
  }
  func.func @transform_7(%arg0: i32) -> (i32, i32) {
    %c0_i32 = arith.constant 0 : i32
    %c0_i32_0 = arith.constant 0 : i32
    %c0_i32_1 = arith.constant 0 : i32
    return %c0_i32, %c0_i32_0 : i32, i32
  }
  func.func @transform_8(%arg0: i32) -> (i32, i32) {
    %c0_i32 = arith.constant 0 : i32
    %c0_i32_0 = arith.constant 0 : i32
    %c0_i32_1 = arith.constant 0 : i32
    return %c0_i32, %c0_i32_0 : i32, i32
  }
  func.func @transform_9(%arg0: i32) -> (i32, i32) {
    %c0_i32 = arith.constant 0 : i32
    %c0_i32_0 = arith.constant 0 : i32
    return %arg0, %c0_i32 : i32, i32
  }
}

</mosaic_0001>

<sc_bundles>
// kernel: kernel.4.cloned.1.call-start
scs
__scs_entry_jumppad:
0x0: {  	(pc) =	sbr.rel $0x88, $3  }
0x1: {  	(tag) =	ssettag $0x0;
	lr =	simm.s32 $0x1  }
0x2: {  	[smem:$0x3F97] =	sst lr;
	_ =	strace $0xD0000000  }
0x3: {  	_ = 	snop  }
0x4: {  	_ = 	snop  }
0x5: {  	_ = 	snop  }
0x6: {  	_ = 	snop  }
0x7: {  	_ = 	snop  }
__scs_overlays_trampoline_lowered:
0x8: {  	[smem:$0x3FA6] =	sst s0  }
0x9: {  	[smem:$0x3FA7] =	sst s1  }
0xa: {  	[smem:$0x3FA8] =	sst s2  }
0xb: {  	[smem:$0x3FA9] =	sst s3  }
0xc: {  	[smem:$0x3FAA] =	sst s4  }
0xd: {  	[smem:$0x3FAB] =	sst s5  }
0xe: {  	[smem:$0x3FAC] =	sst s6  }
0xf: {  	[smem:$0x3FAD] =	sst s7  }
0x10: {  	[smem:$0x3FAE] =	sst s8  }
0x11: {  	[smem:$0x3FAF] =	sst s9;
	s0 =	simm.s32 @!p0 $0x0  }
0x12: {  	s1 =	sld [smem:$0x3F95];
	s0 =	simm.s32 @p0 $0x1  }
0x13: {  	[smem:$0x3FB0] =	sst s0;
	s0 =	simm.s32 @!p1 $0x0  }
0x14: {  	s2 =	sld [smem:$0x3F94];
	s0 =	simm.s32 @p1 $0x1  }
0x15: {  	[smem:$0x3FB1] =	sst s0;
	s0 =	simm.s32 @!p2 $0x0  }
0x16: {  	s3 =	sld [smem:$0x3FDB];
	s0 =	simm.s32 @p2 $0x1  }
0x17: {  	s4 =	simm.s32 $0x1BF5;
	[smem:$0x3FB3] =	sst s0  }
0x18: {  	s0 =	sld [smem:$0x3F96];
	_ =	swait.ge [sflag:s4], $0x0  }
0x19: {  	s7 =	sld [smem:$0x3F97]  }
0x1a: {  	s8 =	sadd.s32 $0xFFFFE003, lr  }
0x1b: {  	s9 =	sadd.s32 $0xFFFFFEF7, lr;
	s5 =	simm.s32 $0xFFFFFFFF;
	p2 =	slt.u32 s8, $0xFFFFF086  }
0x1c: {  	p1 =	slt.u32 s9, $0xF7A;
	s5 =	simm.s32 @!p2 $0x0  }
0x1d: {  	s5 =	simm.s32 @p1 $0x1;
	p0 =	seq.s32 s7, s2  }
0x1e: {  	s7 =	smul.u32 @!p0 $0xF7A, s2;
	p2 =	seq.s32 @!p0 s5, $0x0  }
0x1f: {  	s9 =	smul.u32 $0xF7A, s1;
	s8 =	simm.s32 @!p0 $0x1BF5;
	p2 =	por !p2, p0  }
0x20: {  	[sflag:s8] =	ssyncset.s32 @!p0 $0xFFFFF086;
	s6 =	sadd.s32 @!p0 s3, s7;
	s7 =	simm.s32 @!p0 $0x108  }
0x21: {  	s3 =	sadd.s32 s3, s9;
	s6 =	sadd.s32 @!p0 $0x88, s6;
	s7 =	simm.s32 @p2 $0x1082  }
0x22: {  	[simem:s7], [sflag:s8] =	dma.local @!p0 [hbm:s6], $0xF7A  }
0x23: {  	s9 =	sor.u32 $0xD0000000, s2;
	s6 =	simm.s32 $0x108;
	_ =	swait.ge @!p0 [sflag:s8], $0x0  }
0x24: {  	s3 =	sadd.s32 $0x88, s3;
	s6 =	simm.s32 @!p1 $0x1082;
	[sflag:s4] =	ssyncset.s32 $0xFFFFF086  }
0x25: {  	[simem:s6], [sflag:s4] =	dma.local [hbm:s3], $0xF7A  }
0x26: {  	[smem:$0x3F97] =	sst s1;
	(tag) =	ssettag s2;
	_ =	strace s9  }
0x27: {  	s1 =	sld [smem:$0x3FA7]  }
0x28: {  	s2 =	sld [smem:$0x3FA8]  }
0x29: {  	s4 =	sld [smem:$0x3FAA]  }
0x2a: {  	p0 =	seq.s32 s5, $0x0;
	s5 =	sld [smem:$0x3FAB]  }
0x2b: {  	s6 =	sld [smem:$0x3FAC]  }
0x2c: {  	s7 =	sld [smem:$0x3FAD]  }
0x2d: {  	s3 =	simm.s32 $0x108;
	s8 =	sld [smem:$0x3FAE]  }
0x2e: {  	s3 =	simm.s32 @!p0 $0x1082;
	s9 =	sld [smem:$0x3FAF]  }
0x2f: {  	lr =	sadd.s32 s0, s3;
	s0 =	sld [smem:$0x3FA6]  }
0x30: {  	s3 =	sld [smem:$0x3FA9]  }
0x31: {  	[smem:$0x3FB2] =	sst s10  }
0x32: {  	s10 =	sld [smem:$0x3FB0];
	_ =	sdelay $0x3  }
0x33: {  	p0 =	seq.s32 s10, $0x1;
	s10 =	sld [smem:$0x3FB2];
	_ =	sdelay $0x3  }
0x34: {  	[smem:$0x3FB2] =	sst s10  }
0x35: {  	s10 =	sld [smem:$0x3FB1];
	_ =	sdelay $0x3  }
0x36: {  	p1 =	seq.s32 s10, $0x1;
	s10 =	sld [smem:$0x3FB2];
	_ =	sdelay $0x3  }
0x37: {  	[smem:$0x3FB2] =	sst s10  }
0x38: {  	s10 =	sld [smem:$0x3FB3]  }
0x39: {  	_ = 	snop;
	(pc) =	sbr.ind lr, $3  }
0x3a: {  	_ = 	snop  }
0x3b: {  	_ = 	snop  }
0x3c: {  	p2 =	seq.s32 s10, $0x1;
	s10 =	sld [smem:$0x3FB2]  }
0x3d: {  	_ =	shalt  }
0x3e: {  	_ =	shalt  }
0x3f: {  	_ =	shalt  }
0x40: {  	_ =	shalt  }
0x41: {  	_ =	shalt  }
0x42: {  	_ =	shalt  }
0x43: {  	_ =	shalt  }
0x44: {  	_ =	shalt  }
0x45: {  	_ =	shalt  }
0x46: {  	_ =	shalt  }
0x47: {  	_ =	shalt  }
0x48: {  	_ =	shalt  }
0x49: {  	_ =	shalt  }
0x4a: {  	_ =	shalt  }
0x4b: {  	_ =	shalt  }
0x4c: {  	_ =	shalt  }
0x4d: {  	_ =	shalt  }
0x4e: {  	_ =	shalt  }
0x4f: {  	_ =	shalt  }
0x50: {  	_ =	shalt  }
0x51: {  	_ =	shalt  }
0x52: {  	_ =	shalt  }
0x53: {  	_ =	shalt  }
0x54: {  	_ =	shalt  }
0x55: {  	_ =	shalt  }
0x56: {  	_ =	shalt  }
0x57: {  	_ =	shalt  }
0x58: {  	_ =	shalt  }
0x59: {  	_ =	shalt  }
0x5a: {  	_ =	shalt  }
0x5b: {  	_ =	shalt  }
0x5c: {  	_ =	shalt  }
0x5d: {  	_ =	shalt  }
0x5e: {  	_ =	shalt  }
0x5f: {  	_ =	shalt  }
0x60: {  	_ =	shalt  }
0x61: {  	_ =	shalt  }
0x62: {  	_ =	shalt  }
0x63: {  	_ =	shalt  }
0x64: {  	_ =	shalt  }
0x65: {  	_ =	shalt  }
0x66: {  	_ =	shalt  }
0x67: {  	_ =	shalt  }
0x68: {  	_ =	shalt  }
0x69: {  	_ =	shalt  }
0x6a: {  	_ =	shalt  }
0x6b: {  	_ =	shalt  }
0x6c: {  	_ =	shalt  }
0x6d: {  	_ =	shalt  }
0x6e: {  	_ =	shalt  }
0x6f: {  	_ =	shalt  }
0x70: {  	_ =	shalt  }
0x71: {  	_ =	shalt  }
0x72: {  	_ =	shalt  }
0x73: {  	_ =	shalt  }
0x74: {  	_ =	shalt  }
0x75: {  	_ =	shalt  }
0x76: {  	_ =	shalt  }
0x77: {  	_ =	shalt  }
0x78: {  	_ =	shalt  }
0x79: {  	_ =	shalt  }
0x7a: {  	_ =	shalt  }
0x7b: {  	_ =	shalt  }
0x7c: {  	_ =	shalt  }
0x7d: {  	_ =	shalt  }
0x7e: {  	_ =	shalt  }
0x7f: {  	_ =	shalt  }
0x80: {  	_ =	shalt  }
0x81: {  	_ =	shalt  }
0x82: {  	_ =	shalt  }
0x83: {  	_ =	shalt  }
0x84: {  	_ =	shalt  }
0x85: {  	_ =	shalt  }
0x86: {  	_ =	shalt  }
0x87: {  	_ =	shalt  }
.Lfunc_end0:
.L_simem_size_0:
called_computation_lowered:
.L_overlay_start_0:
0x88: {  	s2 =	sld [smem:$0x3FD9]  }
0x89: {  	s3 =	sld [smem:$0x3FFE];
	_ =	sdelay $0x1  }
0x8a: {  	s1 =	srdreg.scid  }
0x8b: {  	s0 =	sand.u32 $0x1, s1  }
0x8c: {  	s17 =	sshll.u32 s0, $0xA;
	s2 =	sadd.s32 s3, s2  }
0x8d: {  	s2 =	sadd.s32 s2, s17  }
0x8e: {  	[smem:$0x3FBE] =	sst s2  }
0x8f: {  	_ = 	snop  }
0x90: {  	s2 =	sld [smem:$0x3FC9]  }
0x91: {  	s18 =	sld [smem:$0x3FC8];
	(tm) =	ssettm $0x1  }
0x92: {  	s4 =	sld [smem:$0x3FFB];
	_ =	sdelay $0x3  }
0x93: {  	_ =	strace s4  }
0x94: {  	s4 =	sld [smem:$0x3FFC];
	_ =	sdelay $0x3  }
0x95: {  	_ =	strace s4  }
0x96: {  	s4 =	sld [smem:$0x3FFD];
	_ =	sdelay $0x3  }
0x97: {  	_ =	strace s4  }
0x98: {  	_ =	strace $0x8FFFFFFF  }
0x99: {  	s19 =	sld [smem:$0x3FDB];
	_ =	sdelay $0x1  }
0x9a: {  	s5 =	simm.s32 $_scs_section_size  }
0x9b: {  	s6 =	simm.s32 $_size__tile_overlayer_lowered;
	s7 =	simm.s32 $_tile_overlayer_lowered  }
0x9c: {  	s22 =	simm.s32 $0x1BFF;
	s21 =	sshll.u32 s7, $0x1;
	s4 =	sadd.s32 s5, s19  }
0x9d: {  	s8 =	simm.s32 $0x0;
	s20 =	sshll.u32 s6, $0x1;
	s6 =	sadd.s32 s21, s4  }
0x9e: {  	[timem:s8], [sflag:s22] =	dma.local [hbm:s6], s20  }
0x9f: {  	_ =	swait.ge [sflag:s22], s20  }
0xa0: {  	s5 =	ssub.s32 $0x0, s20;
	[sflag:s22] =	ssyncset.done $0x0  }
0xa1: {  	[sflag:s22] =	ssyncadd.s32 s5;
	_ =	sdelay $0x1  }
0xa2: {  	s23 =	simm.s32 $0x1B8B  }
0xa3: {  	_ =	swait.ge [sflag:s23], $0x1  }
0xa4: {  	[sflag:s23] =	ssyncset.done $0x0  }
0xa5: {  	s25 =	simm.s32 $0x1B8E;
	s24 =	sld [smem:$0x3FFE];
	[sflag:s23] =	ssyncadd.s32 $0xFFFFFFFF  }
0xa6: {  	s26 =	simm.s32 $execute0_lowered;
	[smem:$0x3FD2] =	sst s25  }
0xa7: {  	s6 =	sshll.u32 s26, $0x1;
	_ =	strace $0x80000046;
	[dreg:$0x1] =	wrdreg $0xFFFFFFFF  }
0xa8: {  	s28 =	simm.s32 $_size_execute0_lowered;
	s4 =	sadd.s32 s4, s6;
	[dreg:$0x0] =	wrdreg $0x0  }
0xa9: {  	s6 =	sshll.u32 s28, $0x1;
	[dreg:$0x2] =	wrdreg s4  }
0xaa: {  	[dreg:$0x3] =	wrdreg s6  }
0xab: {  	[dreg:$0x4] =	wrdreg $0xC0  }
0xac: {  	_ =	task [dreg:s8], $0x5FFFF  }
0xad: {  	[dreg:$0x1] =	wrdreg $0xFFFFFFFF  }
0xae: {  	[dreg:$0x0] =	wrdreg $0x60  }
0xaf: {  	[dreg:$0x2] =	wrdreg s2  }
0xb0: {  	[dreg:$0x3] =	wrdreg s18  }
0xb1: {  	[dreg:$0x4] =	wrdreg s24  }
0xb2: {  	[dreg:$0x5] =	wrdreg $0x0  }
0xb3: {  	[dreg:$0x6] =	wrdreg $0x9  }
0xb4: {  	_ =	task.clear_ibuf [dreg:s8], $0x7FFFF;
	_ =	strace $0x90000046  }
0xb5: {  	s29 =	simm.s32 $0x9;
	_ =	strace $0x80000048  }
0xb6: {  	_ =	swait.ge [sflag:s29], $0x1  }
0xb7: {  	[sflag:s29] =	ssyncadd.s32 $0xFFFFFFFF  }
0xb8: {  	_ =	strace $0x90000048  }
0xb9: {  	_ =	sfence  }
0xba: {  	s30 =	sld [smem:$0x0];
	_ =	sdelay $0x2  }
0xbb: {  	s31 =	sshll.u32 s1, $0xD;
	s1 =	sshrl.u32 s1, $0x2  }
0xbc: {  	s3 =	sand.u32 $0x4000, s31;
	s1 =	sadd.s32 s1, s30  }
0xbd: {  	s0 =	sor.u32 s3, s0;
	s1 =	sshll.u32 s1, $0x11  }
0xbe: {  	s0 =	sor.u32 s1, s0  }
0xbf: {  	s0 =	sadd.s32 $0x8F2B, s0  }
0xc0: {  	[sflag:s0] =	ssyncadd.remote.s32 $0x1  }
0xc1: {  	_ =	sfence.sel $0xFFFF  }
0xc2: {  	[dreg:$0x0] =	wrdreg $0xFFFFFFFF;
	(pc) =	sbr.abs _section_cstart, $3  }
0xc3: {  	[dreg:$0x1] =	wrdreg $0xFFFFFFFF  }
0xc4: {  	_ =	task.clear_ibuf [dreg:s8], $0x2FFFF;
	_ =	strace $0x9FFFFFFF  }
0xc5: {  	(tm) =	ssettm $0x7FFFFFFF  }
tec
execute0_lowered:
.L_overlay_start_1:
0x0: {  	(tag) =	ssettag $0x1  }
0x1: {  	s6 =	rddreg [dreg:$0x0]  }
0x2: {  	s9 =	rddreg [dreg:$0x1]  }
0x3: {  	s5 =	rddreg [dreg:$0x2]  }
0x4: {  	s7 =	rddreg [dreg:$0x3];
	s1 =	simm.s32 $0x0;
	s8 =	srdreg.scid  }
0x5: {  	s2 =	stileid.u32;
	s18 =	simm.s32 $0x200;
	s19 =	simm.s32 $0x1  }
0x6: {  	s20 =	simm.s32 $0x400;
	s21 =	simm.s32 $0x8400;
	s22 =	simm.s32 $0x0  }
0x7: {  	[smem:$0x7FF] =	sst s1;
	s3 =	sadd.s32 $0x1200, s5;
	s4 =	sadd.s32 $0xF43600, s5  }
0x8: {  	s8 =	sand.u32 $0x1, s8;
	s11 =	sshll.u32 s2, $0xA;
	s12 =	sadd.s32 $0x1E85A00, s5  }
0x9: {  	s15 =	sadd.s32 $0x1EC5A00, s5;
	s29 =	sshll.u32 s2, $0x6;
	_ =	strace $0x80000047  }
0xa: {  	s10 =	ssub.s32 $0x2, s8;
	s8 =	sshll.u32 s8, $0x9;
	s5 =	sadd.s32 s11, s7  }
0xb: {  	s7 =	sor.u32 $0x1C02, s29;
	s13 =	sshrl.u32 s10, $0x1;
	s14 =	sor.u32 s8, s11  }
0xc: {  	s8 =	sadd.s32 $0x200, s5;
	s16 =	ssub.s32 s10, s13;
	s28 =	sshrl.u32 s14, $0x3  }
0xd: {  	s30 =	sshll.u32 s14, $0x4;
	s17 =	sshrl.u32 s8, $0x3;
	s6 =	sadd.s32 s6, s28  }
0xe: {  	s9 =	sadd.s32 s9, s28;
	s10 =	sadd.s32 s12, s30;
	s31 =	sor.u32 $0x1000, s30  }
0xf: {  	s11 =	sadd.s32 s15, s30;
	s14 =	smax.u32 s16, $0x1;
	s16 =	simm.s32 $0x2  }
0x10: {  	s12 =	sadd.s32 s12, s31;
	s13 =	sadd.s32 s15, s31;
	s15 =	sshrl.u32 s5, $0x3  }
.LBB2_1:
0x11: {  	[spmem:s15], [sflag:s7] =	dma.local [hbm:s6], $0x40  }
0x12: {  	_ =	swait.ge [sflag:s16], $0x40  }
0x13: {  	[sflag:s16] =	ssyncset.done $0x0  }
0x14: {  	[sflag:s16] =	ssyncadd.s32 $0xFFFFFFC0  }
0x15: {  	[spmem:s17], [sflag:s7] =	dma.local [hbm:s9], $0x40  }
0x16: {  	_ =	swait.ge [sflag:s16], $0x40  }
0x17: {  	[sflag:s16] =	ssyncset.done $0x0  }
0x18: {  	[sflag:s16] =	ssyncadd.s32 $0xFFFFFFC0  }
0x19: {  	[smem:s1], [sflag:$0x2] =	stream.linear.gather [spmem:s5], $0x200, $0x38;
	[tilespmem:$0x10400] =	vst v63  }
0x1a: {  	_ =	swait.ge [sflag:s16], $0x200  }
0x1b: {  	[sflag:s16] =	ssyncset.done $0x0  }
0x1c: {  	[sflag:s16] =	ssyncadd.s32 $0xFFFFFE00  }
0x1d: {  	[smem:s18], [sflag:$0x2] =	stream.linear.gather [spmem:s8], $0x200, $0x38;
	[tilespmem:$0x10400] =	vst v63  }
0x1e: {  	_ =	swait.ge [sflag:s16], $0x200  }
0x1f: {  	[sflag:s16] =	ssyncset.done $0x0  }
0x20: {  	[sflag:s16] =	ssyncadd.s32 $0xFFFFFE00  }
0x21: {  	s23 =	sld [smem:$0x0]  }
0x22: {  	s24 =	sld [smem:$0x200];
	_ =	sdelay $0x1  }
0x23: {  	s28 =	simm.s32 $0x1;
	s23 =	sshll.u32 s23, $0x4  }
0x24: {  	s26 =	simm.s32 $0x8;
	s23 =	sand.u32 $0x1FFFFFF0, s23;
	s24 =	sshll.u32 s24, $0x4  }
0x25: {  	s25 =	simm.s32 $0x400;
	s23 =	sadd.s32 s3, s23;
	s30 =	sand.u32 $0x1FFFFFF0, s24  }
0x26: {  	[tilespmem:s20], [sflag:$0x1] =	stream.linear.gather [hbm4b:s23+s1], $0x80, $0x38;
	[tilespmem:$0x10400] =	vst v63  }
0x27: {  	s24 =	simm.s32 $0x0;
	s23 =	simm.s32 $0x8400;
	s29 =	sld [smem:$0x1]  }
.LBB2_2:
0x28: {  	p0 =	sne.s32 s26, $0x1FC;
	s31 =	sld [smem:s28+$0x200];
	s28 =	sadd.s32 s4, s30  }
0x29: {  	[tilespmem:s23], [sflag:$0x1] =	stream.linear.gather [hbm4b:s28+s24], $0x80, $0x38;
	[tilespmem:$0x10400] =	vst v63  }
.Ltmp0:
0x2a: {  	s25 =	sadd.s32 $0x80, s25;
	s24 =	sshll.u32 s29, $0x4;
	(pc) =	sbr.rel @p0 .LBB2_2-.Ltmp0, $4  }
0x2b: {  	s23 =	sadd.s32 $0x80, s23;
	s29 =	sand.u32 $0x1FFFFFF0, s24;
	s24 =	simm.s32 $0x0  }
0x2c: {  	s28 =	sshra.s32 s26, $0x2;
	s30 =	sshll.u32 s31, $0x4;
	s29 =	sadd.s32 s3, s29  }
0x2d: {  	[tilespmem:s25], [sflag:$0x1] =	stream.linear.gather [hbm4b:s29+s24], $0x80, $0x38;
	[tilespmem:$0x10400] =	vst v63  }
0x2e: {  	s26 =	sadd.s32 $0x4, s26;
	s30 =	sand.u32 $0x1FFFFFF0, s30;
	s29 =	sld [smem:s28+$0x0]  }
0x2f: {  	s26 =	sld [smem:s28+$0x200];
	s28 =	sadd.s32 s4, s30  }
0x30: {  	[tilespmem:s23], [sflag:$0x1] =	stream.linear.gather [hbm4b:s28+s24], $0x80, $0x38;
	[tilespmem:$0x10400] =	vst v63  }
0x31: {  	s25 =	sadd.s32 $0x80, s25;
	s31 =	sadd.s32 $0x80, s23;
	s28 =	sshll.u32 s29, $0x4  }
0x32: {  	p1 =	por $0x1, $0x1;
	s28 =	sand.u32 $0x1FFFFFF0, s28;
	s26 =	sshll.u32 s26, $0x4  }
.Ltmp1:
0x33: {  	s28 =	sadd.s32 s3, s28;
	s30 =	sand.u32 $0x1FFFFFF0, s26;
	(pc) =	sbr.rel @!p1 .LBB2_4-.Ltmp1, $4  }
0x34: {  	[tilespmem:s25], [sflag:$0x1] =	stream.linear.gather [hbm4b:s28+s24], $0x80, $0x38;
	[tilespmem:$0x10400] =	vst v63  }
0x35: {  	p0 =	por $0x0, $0x0;
	s23 =	simm.s32 $0xC400;
	s25 =	sadd.s32 s4, s30  }
0x36: {  	[tilespmem:s31], [sflag:$0x1] =	stream.linear.gather [hbm4b:s25+s24], $0x80, $0x38;
	[tilespmem:$0x10400] =	vst v63  }
0x37: {  	s26 =	simm.s32 $0x0;
	s24 =	simm.s32 $0x4400;
	s28 =	sld [smem:$0x80]  }
0x38: {  	_ = 	snop  }
0x39: {  	s25 =	sld [smem:$0x280];
	p1 =	por $0x1, $0x1  }
.Ltmp2:
0x3a: {  	s30 =	simm.s32 $0x8;
	s26 =	sshll.u32 s28, $0x4;
	(pc) =	sbr.rel @!p1 .LBB2_6-.Ltmp2, $4  }
0x3b: {  	p0 =	por $0x1, $0x1;
	s29 =	simm.s32 $0x4400;
	s28 =	sand.u32 $0x1FFFFFF0, s26  }
0x3c: {  	s26 =	simm.s32 $0x1;
	s25 =	sshll.u32 s25, $0x4;
	s28 =	sadd.s32 s3, s28  }
0x3d: {  	[tilespmem:s24], [sflag:$0x1] =	stream.linear.gather [hbm4b:s28+s1], $0x80, $0x38;
	[tilespmem:$0x10400] =	vst v63  }
0x3e: {  	s31 =	sand.u32 $0x1FFFFFF0, s25;
	s25 =	simm.s32 $0xC400;
	s28 =	sld [smem:$0x81]  }
.LBB2_7:
0x3f: {  	p1 =	sne.s32 s30, $0x1FC;
	s0 =	sld [smem:s26+$0x280];
	s26 =	sadd.s32 s4, s31  }
0x40: {  	[tilespmem:s25], [sflag:$0x1] =	stream.linear.gather [hbm4b:s26+s1], $0x80, $0x38;
	[tilespmem:$0x10400] =	vst v63  }
.Ltmp3:
0x41: {  	s26 =	sshll.u32 s28, $0x4;
	(pc) =	sbr.rel @p1 .LBB2_7-.Ltmp3, $4  }
0x42: {  	s29 =	sadd.s32 $0x80, s29;
	s25 =	sadd.s32 $0x80, s25;
	s28 =	sand.u32 $0x1FFFFFF0, s26  }
0x43: {  	s26 =	sshra.s32 s30, $0x2;
	s0 =	sshll.u32 s0, $0x4;
	s28 =	sadd.s32 s3, s28  }
0x44: {  	[tilespmem:s29], [sflag:$0x1] =	stream.linear.gather [hbm4b:s28+s1], $0x80, $0x38;
	[tilespmem:$0x10400] =	vst v63  }
0x45: {  	s30 =	sadd.s32 $0x4, s30;
	s31 =	sand.u32 $0x1FFFFFF0, s0;
	s28 =	sld [smem:s26+$0x80]  }
.LBB2_8:
0x46: {  	s0 =	sld [smem:s26+$0x280];
	s26 =	sadd.s32 @p0 s4, s31  }
0x47: {  	[tilespmem:s25], [sflag:$0x1] =	stream.linear.gather @p0 [hbm4b:s26+s1], $0x80, $0x38;
	[tilespmem:$0x10400] =	vst v63  }
0x48: {  	s31 =	sshll.u32 s28, $0x4  }
0x49: {  	s28 =	sadd.s32 @p0 $0x80, s29;
	s26 =	sand.u32 $0x1FFFFFF0, s31  }
0x4a: {  	s0 =	sshll.u32 s0, $0x4;
	s24 =	smov.u32 @p0 s28;
	s26 =	sadd.s32 s3, s26  }
0x4b: {  	[tilespmem:s24], [sflag:$0x1] =	stream.linear.gather [hbm4b:s26+s1], $0x80, $0x38;
	[tilespmem:$0x10400] =	vst v63  }
0x4c: {  	s0 =	sand.u32 $0x1FFFFFF0, s0;
	s24 =	sadd.s32 @p0 $0x80, s25  }
0x4d: {  	s0 =	sadd.s32 s4, s0;
	s23 =	smov.u32 @p0 s24  }
0x4e: {  	[tilespmem:s23], [sflag:$0x1] =	stream.linear.gather [hbm4b:s0+s1], $0x80, $0x38;
	[tilespmem:$0x10400] =	vst v63  }
0x4f: {  	_ =	swait.ge [sflag:s19], $0x8000  }
0x50: {  	[sflag:s19] =	ssyncset.done $0x0  }
0x51: {  	[sflag:s19] =	ssyncadd.s32 $0xFFFF8000  }
0x52: {  	_ =	swait.ge [sflag:s19], $0x8000  }
0x53: {  	[sflag:s19] =	ssyncset.done $0x0  }
0x54: {  	s25 =	simm.s32 $0x400;
	s23 =	simm.s32 $0x0;
	[sflag:s19] =	ssyncadd.s32 $0xFFFF8000  }
0x55: {  	[hbm4b:s10+s23] =	stream.linear.scatter [tilespmem:s25], [sflag:$0x2], $0x8000, $0x38;
	[tilespmem:$0x10400] =	vst v63  }
0x56: {  	_ =	swait.ge [sflag:s16], $0x8000  }
0x57: {  	[sflag:s16] =	ssyncset.done $0x0  }
0x58: {  	s24 =	simm.s32 $0x8400;
	[sflag:s16] =	ssyncadd.s32 $0xFFFF8000  }
0x59: {  	[hbm4b:s11+s23] =	stream.linear.scatter [tilespmem:s24], [sflag:$0x2], $0x8000, $0x38;
	[tilespmem:$0x10400] =	vst v63  }
0x5a: {  	_ =	swait.ge [sflag:s16], $0x8000  }
0x5b: {  	[sflag:s16] =	ssyncset.done $0x0  }
0x5c: {  	[sflag:s16] =	ssyncadd.s32 $0xFFFF8000  }
0x5d: {  	s26 =	sld [smem:$0x100];
	_ =	sdelay $0x1  }
0x5e: {  	s31 =	sld [smem:$0x300]  }
0x5f: {  	s0 =	sshll.u32 s26, $0x4  }
0x60: {  	s0 =	sand.u32 $0x1FFFFFF0, s0  }
0x61: {  	s28 =	simm.s32 $0x1;
	s31 =	sshll.u32 s31, $0x4;
	s0 =	sadd.s32 s3, s0  }
0x62: {  	[tilespmem:s25], [sflag:$0x1] =	stream.linear.gather [hbm4b:s0+s23], $0x80, $0x38;
	[tilespmem:$0x10400] =	vst v63  }
0x63: {  	s26 =	simm.s32 $0x8;
	s30 =	sand.u32 $0x1FFFFFF0, s31;
	s29 =	sld [smem:$0x101]  }
.LBB2_9:
0x64: {  	p0 =	sne.s32 s26, $0x1FC;
	s0 =	sld [smem:s28+$0x300];
	s28 =	sadd.s32 s4, s30  }
0x65: {  	[tilespmem:s24], [sflag:$0x1] =	stream.linear.gather [hbm4b:s28+s23], $0x80, $0x38;
	[tilespmem:$0x10400] =	vst v63  }
.Ltmp4:
0x66: {  	s28 =	sshll.u32 s29, $0x4;
	(pc) =	sbr.rel @p0 .LBB2_9-.Ltmp4, $4  }
0x67: {  	s25 =	sadd.s32 $0x80, s25;
	s24 =	sadd.s32 $0x80, s24;
	s29 =	sand.u32 $0x1FFFFFF0, s28  }
0x68: {  	s28 =	sshra.s32 s26, $0x2;
	s0 =	sshll.u32 s0, $0x4;
	s29 =	sadd.s32 s3, s29  }
0x69: {  	[tilespmem:s25], [sflag:$0x1] =	stream.linear.gather [hbm4b:s29+s23], $0x80, $0x38;
	[tilespmem:$0x10400] =	vst v63  }
0x6a: {  	s26 =	sadd.s32 $0x4, s26;
	s30 =	sand.u32 $0x1FFFFFF0, s0;
	s29 =	sld [smem:s28+$0x100]  }
0x6b: {  	s0 =	sld [smem:s28+$0x300];
	s26 =	sadd.s32 s4, s30  }
0x6c: {  	[tilespmem:s24], [sflag:$0x1] =	stream.linear.gather [hbm4b:s26+s23], $0x80, $0x38;
	[tilespmem:$0x10400] =	vst v63  }
0x6d: {  	s31 =	sshll.u32 s29, $0x4  }
0x6e: {  	s26 =	sand.u32 $0x1FFFFFF0, s31;
	s0 =	sshll.u32 s0, $0x4  }
0x6f: {  	s25 =	sadd.s32 $0x80, s25;
	s26 =	sadd.s32 s3, s26;
	s0 =	sand.u32 $0x1FFFFFF0, s0  }
0x70: {  	[tilespmem:s25], [sflag:$0x1] =	stream.linear.gather [hbm4b:s26+s23], $0x80, $0x38;
	[tilespmem:$0x10400] =	vst v63  }
0x71: {  	s26 =	sadd.s32 $0x80, s24;
	s0 =	sadd.s32 s4, s0  }
0x72: {  	[tilespmem:s26], [sflag:$0x1] =	stream.linear.gather [hbm4b:s0+s23], $0x80, $0x38;
	[tilespmem:$0x10400] =	vst v63  }
0x73: {  	s0 =	sld [smem:$0x180];
	_ =	sdelay $0x1  }
0x74: {  	s30 =	sld [smem:$0x380]  }
0x75: {  	s0 =	sshll.u32 s0, $0x4  }
0x76: {  	s24 =	simm.s32 $0x4400;
	s25 =	simm.s32 $0x8;
	s0 =	sand.u32 $0x1FFFFFF0, s0  }
0x77: {  	s23 =	simm.s32 $0xC400;
	s31 =	sshll.u32 s30, $0x4;
	s0 =	sadd.s32 s3, s0  }
0x78: {  	[tilespmem:s24], [sflag:$0x1] =	stream.linear.gather [hbm4b:s0+s1], $0x80, $0x38;
	[tilespmem:$0x10400] =	vst v63  }
0x79: {  	s26 =	simm.s32 $0x1;
	s29 =	sand.u32 $0x1FFFFFF0, s31;
	s28 =	sld [smem:$0x181]  }
.LBB2_11:
0x7a: {  	p0 =	sne.s32 s25, $0x1FC;
	s0 =	sld [smem:s26+$0x380];
	s26 =	sadd.s32 s4, s29  }
0x7b: {  	[tilespmem:s23], [sflag:$0x1] =	stream.linear.gather [hbm4b:s26+s1], $0x80, $0x38;
	[tilespmem:$0x10400] =	vst v63  }
.Ltmp5:
0x7c: {  	s26 =	sshll.u32 s28, $0x4;
	(pc) =	sbr.rel @p0 .LBB2_11-.Ltmp5, $4  }
0x7d: {  	s24 =	sadd.s32 $0x80, s24;
	s23 =	sadd.s32 $0x80, s23;
	s28 =	sand.u32 $0x1FFFFFF0, s26  }
0x7e: {  	s26 =	sshra.s32 s25, $0x2;
	s0 =	sshll.u32 s0, $0x4;
	s28 =	sadd.s32 s3, s28  }
0x7f: {  	[tilespmem:s24], [sflag:$0x1] =	stream.linear.gather [hbm4b:s28+s1], $0x80, $0x38;
	[tilespmem:$0x10400] =	vst v63  }
0x80: {  	s25 =	sadd.s32 $0x4, s25;
	s29 =	sand.u32 $0x1FFFFFF0, s0;
	s28 =	sld [smem:s26+$0x180]  }
0x81: {  	s0 =	sld [smem:s26+$0x380];
	s25 =	sadd.s32 s4, s29  }
0x82: {  	[tilespmem:s23], [sflag:$0x1] =	stream.linear.gather [hbm4b:s25+s1], $0x80, $0x38;
	[tilespmem:$0x10400] =	vst v63  }
0x83: {  	s30 =	sshll.u32 s28, $0x4  }
0x84: {  	s25 =	sand.u32 $0x1FFFFFF0, s30;
	s0 =	sshll.u32 s0, $0x4  }
0x85: {  	s24 =	sadd.s32 $0x80, s24;
	s25 =	sadd.s32 s3, s25;
	s0 =	sand.u32 $0x1FFFFFF0, s0  }
0x86: {  	[tilespmem:s24], [sflag:$0x1] =	stream.linear.gather [hbm4b:s25+s1], $0x80, $0x38;
	[tilespmem:$0x10400] =	vst v63  }
0x87: {  	s31 =	sadd.s32 $0x80, s23;
	s0 =	sadd.s32 s4, s0  }
0x88: {  	[tilespmem:s31], [sflag:$0x1] =	stream.linear.gather [hbm4b:s0+s1], $0x80, $0x38;
	[tilespmem:$0x10400] =	vst v63  }
0x89: {  	_ =	swait.ge [sflag:s19], $0x8000  }
0x8a: {  	[sflag:s19] =	ssyncset.done $0x0  }
0x8b: {  	[sflag:s19] =	ssyncadd.s32 $0xFFFF8000  }
0x8c: {  	_ =	swait.ge [sflag:s19], $0x8000  }
0x8d: {  	[sflag:s19] =	ssyncset.done $0x0  }
0x8e: {  	[sflag:s19] =	ssyncadd.s32 $0xFFFF8000  }
0x8f: {  	[hbm4b:s12+s1] =	stream.linear.scatter [tilespmem:s20], [sflag:$0x2], $0x8000, $0x38;
	[tilespmem:$0x10400] =	vst v63  }
0x90: {  	_ =	swait.ge [sflag:s16], $0x8000  }
0x91: {  	s22 =	sadd.s32 $0x1, s22;
	[sflag:s16] =	ssyncset.done $0x0  }
0x92: {  	p0 =	sne.s32 s22, s14;
	[sflag:s16] =	ssyncadd.s32 $0xFFFF8000  }
0x93: {  	[hbm4b:s13+s1] =	stream.linear.scatter [tilespmem:s21], [sflag:$0x2], $0x8000, $0x38;
	[tilespmem:$0x10400] =	vst v63  }
.Ltmp6:
0x94: {  	_ = 	snop;
	(pc) =	sbr.rel @p0 .LBB2_1-.Ltmp6, $4  }
.Ltmp7:
0x95: {  	_ = 	snop;
	(pc) =	sbr.rel @!p0 .LBB2_13-.Ltmp7, $4  }
0x96: {  	_ =	swait.ge [sflag:s16], $0x8000  }
0x97: {  	[sflag:s16] =	ssyncset.done $0x0  }
0x98: {  	[sflag:s16] =	ssyncadd.s32 $0xFFFF8000  }
0x99: {  	_ = 	snop  }
.LBB2_4:
.Ltmp8:
0x9a: {  	(pc) =	sbr.rel .LBB2_8-.Ltmp8, $2  }
0x9b: {  	_ =	sdelay $0x2  }
0x9c: {  	s25 =	simm.s32 $0xC400;
	s29 =	simm.s32 $0x4400  }
.LBB2_6:
.Ltmp9:
0x9d: {  	(pc) =	sbr.rel .LBB2_8-.Ltmp9, $2  }
0x9e: {  	_ =	sdelay $0x2  }
0x9f: {  	s25 =	simm.s32 $0xC400;
	s29 =	simm.s32 $0x4400  }
.LBB2_13:
0xa0: {  	_ =	sfence.sel $0x180000  }
0xa1: {  	[bflag:$0x0] =	sbarrier.arrive $0xFFFF  }
0xa2: {  	_ =	strace $0x90000047  }
0xa3: {  	[bflag:$0x2] =	sbarrier.arrive $0xFFFF  }
0xa4: {  	p0 =	sne.s32 s2, $0x0;
	s0 =	rddreg [dreg:$0x4]  }
0xa5: {  	s0 =	sadd.s32 @!p0 $0x100000, s0  }
0xa6: {  	[sflag:s0] =	ssyncadd.tile.s32 @!p0 $0x1;
	_ =	shalt  }
.Lfunc_end2:
_tile_overlayer_lowered:
.L_overlay_start_2:
0xa7: {  	(tag) =	ssettag $0x2  }
0xa8: {  	s0 =	rddreg [dreg:$0x0];
	s2 =	stileid.u32  }
0xa9: {  	s1 =	rddreg [dreg:$0x1];
	p0 =	sne.s32 s2, $0x0  }
0xaa: {  	s3 =	rddreg [dreg:$0x2];
	[bflag:$0x3] =	sbarrier.arrive $0xFFFF;
	s2 =	simm.s32 @!p0 $0x1C02  }
0xab: {  	[timem:s3], [sflag:s2] =	dma.local @!p0 [hbm:s0], s1  }
0xac: {  	s0 =	simm.s32 @!p0 $0x2  }
0xad: {  	_ =	swait.ge @!p0 [sflag:s0], s1  }
0xae: {  	s1 =	ssub.s32 @!p0 $0x0, s1;
	[sflag:s0] =	ssyncset.done @!p0 $0x0  }
0xaf: {  	[sflag:s0] =	ssyncadd.s32 @!p0 s1  }
0xb0: {  	[bflag:$0x3] =	sbarrier.arrive $0xFFFF  }
0xb1: {  	_ =	shalt  }

</sc_bundles>
